<compile_context>
chip_gen: v7x
topology: tpu7x:2x2x1
jax: 0.10.2.dev20260603
libtpu: 0.0.44.dev20260713+nightly
codegen_flags: <defaults>
</compile_context>

<pallas_src>
import functools

import jax
import jax.numpy as jnp
from jax import lax
from jax.experimental import pallas as pl
from jax.experimental.pallas import tpu as pltpu
from jax.experimental.pallas import tpu_sc as plsc

N = 10000
NP = 10240
E = 80000
NC = 2
NS = 16
NW = NC * NS
ENDP = 2 * E
PER_TILE = 5120
PADDED = NW * PER_TILE
CHUNK = 128
NCHUNK = PER_TILE // CHUNK
GROUPS = CHUNK // 16


def _make_scatter(value: float):
  mesh = plsc.VectorSubcoreMesh(
      core_axis_name="c", subcore_axis_name="s",
      num_cores=NC, num_subcores=NS)

  @functools.partial(
      pl.kernel,
      out_type=(),
      mesh=mesh,
      scratch_types=[
          pltpu.VMEM((PER_TILE,), jnp.int32),
          pltpu.VMEM((PER_TILE,), jnp.int32),
          pltpu.VMEM((NCHUNK, CHUNK), jnp.int32),
          pltpu.VMEM((CHUNK,), jnp.float32),
          pltpu.SemaphoreType.DMA,
      ],
  )
  def scatter(rows_hbm, cols_hbm, m_hbm, rows_v, cols_v, idx_v, val_v, sem):
    wid = lax.axis_index("s") * NC + lax.axis_index("c")
    base = wid * PER_TILE
    pltpu.sync_copy(rows_hbm.at[pl.ds(base, PER_TILE)], rows_v)
    pltpu.sync_copy(cols_hbm.at[pl.ds(base, PER_TILE)], cols_v)

    vval = jnp.full((16,), value, dtype=jnp.float32)
    for g in range(GROUPS):
      val_v[pl.ds(g * 16, 16)] = vval

    @pl.loop(0, NCHUNK)
    def _compute(j):
      for g in range(GROUPS):
        off = j * CHUNK + g * 16
        r = rows_v[pl.ds(off, 16)]
        c = cols_v[pl.ds(off, 16)]
        idx_v[j, pl.ds(g * 16, 16)] = r * NP + c

    @pl.loop(0, NCHUNK)
    def _fire(j):
      pltpu.async_copy(val_v, m_hbm.at[idx_v.at[j]], sem)

    @pl.loop(0, NCHUNK)
    def _drain(j):
      pltpu.make_async_copy(val_v, m_hbm.at[idx_v.at[0]], sem).wait()

  return scatter


_scatter_pos = _make_scatter(1.0)
_scatter_neg = _make_scatter(-1.0)

ROWS_BLK = 80


def _norm_body(m_blk, out_blk):
  x = m_blk[...].reshape(ROWS_BLK, NP)
  rs = jnp.sum(x, axis=1, keepdims=True)
  out_blk[...] = x[:, :N] / (rs + 1e-10)


_normalize = pl.pallas_call(
    _norm_body,
    out_shape=jax.ShapeDtypeStruct((N, N), jnp.float32),
    grid=(N // ROWS_BLK,),
    in_specs=[pl.BlockSpec((ROWS_BLK * NP,), lambda i: (i,))],
    out_specs=pl.BlockSpec((ROWS_BLK, N), lambda i: (i, 0)),
)


def _endpoints(edge_index):
  rows = jnp.concatenate([edge_index[0], edge_index[1]])
  cols = jnp.concatenate([edge_index[1], edge_index[0]])
  pad = PADDED - ENDP
  rows = jnp.concatenate([rows, jnp.broadcast_to(rows[-1:], (pad,))])
  cols = jnp.concatenate([cols, jnp.broadcast_to(cols[-1:], (pad,))])
  return rows.astype(jnp.int32), cols.astype(jnp.int32)


def kernel(pos_edge_index, neg_edge_index, num_nodes):
  rows_p, cols_p = _endpoints(pos_edge_index)
  rows_n, cols_n = _endpoints(neg_edge_index)
  m_ref = jax.new_ref(jnp.zeros((N * NP,), jnp.float32))
  _scatter_pos(rows_p, cols_p, m_ref)
  _scatter_neg(rows_n, cols_n, m_ref)
  m = jax.freeze(m_ref)
  return _normalize(m)

# --- scband reference (transcript-rebuilt; emitter-appended) ---
"""Pipeline reference for scband-adjencoding-43121471651998 (READ-ONLY COPY).

The authoritative reference and input builder live on the scoring server;
editing this copy changes nothing except your own understanding.
"""

import jax, jax.numpy as jnp
import numpy as np

N_NODES = 10000
N_EDGES = 80000

def setup_inputs(seed: int = 0) -> dict:
    key = jax.random.key(seed)
    k1, k2 = jax.random.split(key)
    pos_edge_index = jax.random.randint(k1, (2, N_EDGES), 0, N_NODES)
    neg_edge_index = jax.random.randint(k2, (2, N_EDGES), 0, N_NODES)
    return {
        "pos_edge_index": pos_edge_index,
        "neg_edge_index": neg_edge_index,
        "num_nodes": N_NODES,
    }

def reference(pos_edge_index, neg_edge_index, num_nodes):
    adj = jnp.zeros((N_NODES, N_NODES), dtype=jnp.float32) + jnp.zeros((), dtype=jnp.float32) * num_nodes
    # scatter-overwrite, same order as the torch module (neg overwrites pos on collisions)
    adj = adj.at[pos_edge_index[0], pos_edge_index[1]].set(1.0)
    adj = adj.at[pos_edge_index[1], pos_edge_index[0]].set(1.0)
    adj = adj.at[neg_edge_index[0], neg_edge_index[1]].set(-1.0)
    adj = adj.at[neg_edge_index[1], neg_edge_index[0]].set(-1.0)
    row_sum = adj.sum(axis=1, keepdims=True)
    epsilon = 1e-10
    normalized_adj_matrix = adj / (row_sum + epsilon)
    return normalized_adj_matrix

if __name__ == "__main__":
    import jax
    _d = setup_inputs()
    print(jax.jit(kernel)(*tuple(_d.values())))

</pallas_src>

<mosaic_0001>
#map = affine_map<(d0, d1) -> (0)>
module attributes {stable_mosaic.version = 14 : i64} {
  func.func @new_body(%arg0: i32, %arg1: i32, %arg2: memref<163840xi32, #tpu.memory_space<hbm>>, %arg3: memref<163840xi32, #tpu.memory_space<hbm>>, %arg4: memref<102400000xf32, #tpu.memory_space<hbm>>, %arg5: memref<102400000xf32, #tpu.memory_space<hbm>>, %arg6: memref<5120xi32, #tpu.memory_space<vmem>>, %arg7: memref<5120xi32, #tpu.memory_space<vmem>>, %arg8: memref<40x128xi32, #tpu.memory_space<vmem>>, %arg9: memref<128xf32, #tpu.memory_space<vmem>>, %arg10: memref<!tpu.dma_semaphore, #tpu.memory_space<semaphore_mem>>) attributes {dimension_semantics = [#tpu.dimension_semantics<core_parallel>, #tpu.dimension_semantics<subcore_parallel>], iteration_bounds = array<i64: 2, 16>, scalar_prefetch = 0 : i64, scratch_operands = 5 : i64, tpu.core_type = #tpu.core_type<sc_vector_subcore>, window_params = [{transform_indices = #map}, {transform_indices = #map}, {transform_indices = #map}, {transform_indices = #map}]} {
    %mul3A = arith.constant 2 : i32
    %mul3A_0 = arith.muli %arg1, %mul3A : i32
    %add3A = arith.addi %mul3A_0, %arg0 : i32
    %mul3A_1 = arith.constant 5120 : i32
    %mul3A_2 = arith.muli %add3A, %mul3A_1 : i32
    "tpu.region"() ({
      %run_scoped3A = tpu.sem_alloc : memref<!tpu.dma_semaphore, #tpu.memory_space<semaphore_mem>>
      %dma_start3A = tpu.memref_slice %arg2[%mul3A_2] : memref<163840xi32, #tpu.memory_space<hbm>> -> memref<5120xi32, #tpu.memory_space<hbm>>
      %dma_start3A_49 = tpu.memref_slice %arg2[%mul3A_2] : memref<163840xi32, #tpu.memory_space<hbm>> -> memref<5120xi32, #tpu.memory_space<hbm>>
      tpu.enqueue_dma source(%dma_start3A_49 : memref<5120xi32, #tpu.memory_space<hbm>>) target(%arg6 : memref<5120xi32, #tpu.memory_space<vmem>>) target_semaphore(%run_scoped3A : memref<!tpu.dma_semaphore, #tpu.memory_space<semaphore_mem>>)
      %dma_wait3A = tpu.memref_slice %arg2[%mul3A_2] : memref<163840xi32, #tpu.memory_space<hbm>> -> memref<5120xi32, #tpu.memory_space<hbm>>
      %dma_wait3A_50 = tpu.memref_slice %arg2[%mul3A_2] : memref<163840xi32, #tpu.memory_space<hbm>> -> memref<5120xi32, #tpu.memory_space<hbm>>
      tpu.wait_dma2 semaphore(%run_scoped3A : memref<!tpu.dma_semaphore, #tpu.memory_space<semaphore_mem>>) src(%dma_wait3A_50 : memref<5120xi32, #tpu.memory_space<hbm>>) dst(%arg6 : memref<5120xi32, #tpu.memory_space<vmem>>)
      tpu.yield
    }) : () -> ()
    "tpu.region"() ({
      %run_scoped3A = tpu.sem_alloc : memref<!tpu.dma_semaphore, #tpu.memory_space<semaphore_mem>>
      %dma_start3A = tpu.memref_slice %arg3[%mul3A_2] : memref<163840xi32, #tpu.memory_space<hbm>> -> memref<5120xi32, #tpu.memory_space<hbm>>
      %dma_start3A_49 = tpu.memref_slice %arg3[%mul3A_2] : memref<163840xi32, #tpu.memory_space<hbm>> -> memref<5120xi32, #tpu.memory_space<hbm>>
      tpu.enqueue_dma source(%dma_start3A_49 : memref<5120xi32, #tpu.memory_space<hbm>>) target(%arg7 : memref<5120xi32, #tpu.memory_space<vmem>>) target_semaphore(%run_scoped3A : memref<!tpu.dma_semaphore, #tpu.memory_space<semaphore_mem>>)
      %dma_wait3A = tpu.memref_slice %arg3[%mul3A_2] : memref<163840xi32, #tpu.memory_space<hbm>> -> memref<5120xi32, #tpu.memory_space<hbm>>
      %dma_wait3A_50 = tpu.memref_slice %arg3[%mul3A_2] : memref<163840xi32, #tpu.memory_space<hbm>> -> memref<5120xi32, #tpu.memory_space<hbm>>
      tpu.wait_dma2 semaphore(%run_scoped3A : memref<!tpu.dma_semaphore, #tpu.memory_space<semaphore_mem>>) src(%dma_wait3A_50 : memref<5120xi32, #tpu.memory_space<hbm>>) dst(%arg7 : memref<5120xi32, #tpu.memory_space<vmem>>)
      tpu.yield
    }) : () -> ()
    %broadcast_in_dim3A = arith.constant -1.000000e+00 : f32
    %broadcast_in_dim3A_3 = vector.broadcast %broadcast_in_dim3A : f32 to vector<16xf32>
    %swap3A = arith.constant 0 : index
    %swap3A_4 = tpu.vector_load %arg9[%swap3A] {strides = array<i32>} : memref<128xf32, #tpu.memory_space<vmem>>, vector<16xf32>,
    %swap3A_5 = vector.shape_cast %swap3A_4 : vector<16xf32> to vector<16xf32>
    %swap3A_6 = vector.shape_cast %broadcast_in_dim3A_3 : vector<16xf32> to vector<16xf32>
    tpu.vector_store %arg9[%swap3A], %swap3A_6 {strides = array<i32>} : memref<128xf32, #tpu.memory_space<vmem>>, vector<16xf32>,
    %swap3A_7 = arith.constant 16 : index
    %swap3A_8 = tpu.vector_load %arg9[%swap3A_7] {strides = array<i32>} : memref<128xf32, #tpu.memory_space<vmem>>, vector<16xf32>,
    %swap3A_9 = vector.shape_cast %swap3A_8 : vector<16xf32> to vector<16xf32>
    %swap3A_10 = vector.shape_cast %broadcast_in_dim3A_3 : vector<16xf32> to vector<16xf32>
    tpu.vector_store %arg9[%swap3A_7], %swap3A_10 {strides = array<i32>} : memref<128xf32, #tpu.memory_space<vmem>>, vector<16xf32>,
    %swap3A_11 = arith.constant 32 : index
    %swap3A_12 = tpu.vector_load %arg9[%swap3A_11] {strides = array<i32>} : memref<128xf32, #tpu.memory_space<vmem>>, vector<16xf32>,
    %swap3A_13 = vector.shape_cast %swap3A_12 : vector<16xf32> to vector<16xf32>
    %swap3A_14 = vector.shape_cast %broadcast_in_dim3A_3 : vector<16xf32> to vector<16xf32>
    tpu.vector_store %arg9[%swap3A_11], %swap3A_14 {strides = array<i32>} : memref<128xf32, #tpu.memory_space<vmem>>, vector<16xf32>,
    %swap3A_15 = arith.constant 48 : index
    %swap3A_16 = tpu.vector_load %arg9[%swap3A_15] {strides = array<i32>} : memref<128xf32, #tpu.memory_space<vmem>>, vector<16xf32>,
    %swap3A_17 = vector.shape_cast %swap3A_16 : vector<16xf32> to vector<16xf32>
    %swap3A_18 = vector.shape_cast %broadcast_in_dim3A_3 : vector<16xf32> to vector<16xf32>
    tpu.vector_store %arg9[%swap3A_15], %swap3A_18 {strides = array<i32>} : memref<128xf32, #tpu.memory_space<vmem>>, vector<16xf32>,
    %swap3A_19 = arith.constant 64 : index
    %swap3A_20 = tpu.vector_load %arg9[%swap3A_19] {strides = array<i32>} : memref<128xf32, #tpu.memory_space<vmem>>, vector<16xf32>,
    %swap3A_21 = vector.shape_cast %swap3A_20 : vector<16xf32> to vector<16xf32>
    %swap3A_22 = vector.shape_cast %broadcast_in_dim3A_3 : vector<16xf32> to vector<16xf32>
    tpu.vector_store %arg9[%swap3A_19], %swap3A_22 {strides = array<i32>} : memref<128xf32, #tpu.memory_space<vmem>>, vector<16xf32>,
    %swap3A_23 = arith.constant 80 : index
    %swap3A_24 = tpu.vector_load %arg9[%swap3A_23] {strides = array<i32>} : memref<128xf32, #tpu.memory_space<vmem>>, vector<16xf32>,
    %swap3A_25 = vector.shape_cast %swap3A_24 : vector<16xf32> to vector<16xf32>
    %swap3A_26 = vector.shape_cast %broadcast_in_dim3A_3 : vector<16xf32> to vector<16xf32>
    tpu.vector_store %arg9[%swap3A_23], %swap3A_26 {strides = array<i32>} : memref<128xf32, #tpu.memory_space<vmem>>, vector<16xf32>,
    %swap3A_27 = arith.constant 96 : index
    %swap3A_28 = tpu.vector_load %arg9[%swap3A_27] {strides = array<i32>} : memref<128xf32, #tpu.memory_space<vmem>>, vector<16xf32>,
    %swap3A_29 = vector.shape_cast %swap3A_28 : vector<16xf32> to vector<16xf32>
    %swap3A_30 = vector.shape_cast %broadcast_in_dim3A_3 : vector<16xf32> to vector<16xf32>
    tpu.vector_store %arg9[%swap3A_27], %swap3A_30 {strides = array<i32>} : memref<128xf32, #tpu.memory_space<vmem>>, vector<16xf32>,
    %swap3A_31 = arith.constant 112 : index
    %swap3A_32 = tpu.vector_load %arg9[%swap3A_31] {strides = array<i32>} : memref<128xf32, #tpu.memory_space<vmem>>, vector<16xf32>,
    %swap3A_33 = vector.shape_cast %swap3A_32 : vector<16xf32> to vector<16xf32>
    %swap3A_34 = vector.shape_cast %broadcast_in_dim3A_3 : vector<16xf32> to vector<16xf32>
    tpu.vector_store %arg9[%swap3A_31], %swap3A_34 {strides = array<i32>} : memref<128xf32, #tpu.memory_space<vmem>>, vector<16xf32>,
    %scan3A = arith.constant 0 : i32
    %scan3A_35 = arith.constant 40 : i32
    %scan3A_36 = arith.addi %scan3A, %scan3A_35 : i32
    %scan3A_37 = arith.constant 1 : i32
    scf.for %scan3A_49 = %scan3A to %scan3A_36 step %scan3A_37  : i32 {
      %mul3A_50 = arith.constant 1 : i32
      %mul3A_51 = arith.muli %scan3A_49, %mul3A_50 : i32
      %add3A_52 = arith.constant 0 : i32
      %add3A_53 = arith.addi %add3A_52, %mul3A_51 : i32
      %mul3A_54 = arith.constant 128 : i32
      %mul3A_55 = arith.muli %add3A_53, %mul3A_54 : i32
      %add3A_56 = arith.constant 0 : i32
      %add3A_57 = arith.addi %mul3A_55, %add3A_56 : i32
      %get3A = arith.index_cast %add3A_57 : i32 to index
      %get3A_58 = tpu.vector_load %arg6[%get3A] {strides = array<i32>} : memref<5120xi32, #tpu.memory_space<vmem>>, vector<16xi32>,
      %get3A_59 = vector.shape_cast %get3A_58 : vector<16xi32> to vector<16xi32>
      %get3A_60 = arith.index_cast %add3A_57 : i32 to index
      %get3A_61 = tpu.vector_load %arg7[%get3A_60] {strides = array<i32>} : memref<5120xi32, #tpu.memory_space<vmem>>, vector<16xi32>,
      %get3A_62 = vector.shape_cast %get3A_61 : vector<16xi32> to vector<16xi32>
      %mul3A_63 = arith.constant 10240 : i32
      %mul3A_64 = vector.broadcast %mul3A_63 : i32 to vector<16xi32>
      %mul3A_65 = arith.muli %get3A_59, %mul3A_64 : vector<16xi32>
      %add3A_66 = arith.addi %mul3A_65, %get3A_62 : vector<16xi32>
      %swap3A_67 = arith.index_cast %add3A_53 : i32 to index
      %swap3A_68 = arith.constant 0 : index
      %swap3A_69 = tpu.vector_load %arg8[%swap3A_67, %swap3A_68] {strides = array<i32>} : memref<40x128xi32, #tpu.memory_space<vmem>>, vector<1x16xi32>,
      %swap3A_70 = vector.shape_cast %swap3A_69 : vector<1x16xi32> to vector<16xi32>
      %swap3A_71 = vector.shape_cast %add3A_66 : vector<16xi32> to vector<1x16xi32>
      tpu.vector_store %arg8[%swap3A_67, %swap3A_68], %swap3A_71 {strides = array<i32>} : memref<40x128xi32, #tpu.memory_space<vmem>>, vector<1x16xi32>,
      %mul3A_72 = arith.constant 128 : i32
      %mul3A_73 = arith.muli %add3A_53, %mul3A_72 : i32
      %add3A_74 = arith.constant 16 : i32
      %add3A_75 = arith.addi %mul3A_73, %add3A_74 : i32
      %get3A_76 = arith.index_cast %add3A_75 : i32 to index
      %get3A_77 = tpu.vector_load %arg6[%get3A_76] {strides = array<i32>} : memref<5120xi32, #tpu.memory_space<vmem>>, vector<16xi32>,
      %get3A_78 = vector.shape_cast %get3A_77 : vector<16xi32> to vector<16xi32>
      %get3A_79 = arith.index_cast %add3A_75 : i32 to index
      %get3A_80 = tpu.vector_load %arg7[%get3A_79] {strides = array<i32>} : memref<5120xi32, #tpu.memory_space<vmem>>, vector<16xi32>,
      %get3A_81 = vector.shape_cast %get3A_80 : vector<16xi32> to vector<16xi32>
      %mul3A_82 = arith.constant 10240 : i32
      %mul3A_83 = vector.broadcast %mul3A_82 : i32 to vector<16xi32>
      %mul3A_84 = arith.muli %get3A_78, %mul3A_83 : vector<16xi32>
      %add3A_85 = arith.addi %mul3A_84, %get3A_81 : vector<16xi32>
      %swap3A_86 = arith.index_cast %add3A_53 : i32 to index
      %swap3A_87 = arith.constant 16 : index
      %swap3A_88 = tpu.vector_load %arg8[%swap3A_86, %swap3A_87] {strides = array<i32>} : memref<40x128xi32, #tpu.memory_space<vmem>>, vector<1x16xi32>,
      %swap3A_89 = vector.shape_cast %swap3A_88 : vector<1x16xi32> to vector<16xi32>
      %swap3A_90 = vector.shape_cast %add3A_85 : vector<16xi32> to vector<1x16xi32>
      tpu.vector_store %arg8[%swap3A_86, %swap3A_87], %swap3A_90 {strides = array<i32>} : memref<40x128xi32, #tpu.memory_space<vmem>>, vector<1x16xi32>,
      %mul3A_91 = arith.constant 128 : i32
      %mul3A_92 = arith.muli %add3A_53, %mul3A_91 : i32
      %add3A_93 = arith.constant 32 : i32
      %add3A_94 = arith.addi %mul3A_92, %add3A_93 : i32
      %get3A_95 = arith.index_cast %add3A_94 : i32 to index
      %get3A_96 = tpu.vector_load %arg6[%get3A_95] {strides = array<i32>} : memref<5120xi32, #tpu.memory_space<vmem>>, vector<16xi32>,
      %get3A_97 = vector.shape_cast %get3A_96 : vector<16xi32> to vector<16xi32>
      %get3A_98 = arith.index_cast %add3A_94 : i32 to index
      %get3A_99 = tpu.vector_load %arg7[%get3A_98] {strides = array<i32>} : memref<5120xi32, #tpu.memory_space<vmem>>, vector<16xi32>,
      %get3A_100 = vector.shape_cast %get3A_99 : vector<16xi32> to vector<16xi32>
      %mul3A_101 = arith.constant 10240 : i32
      %mul3A_102 = vector.broadcast %mul3A_101 : i32 to vector<16xi32>
      %mul3A_103 = arith.muli %get3A_97, %mul3A_102 : vector<16xi32>
      %add3A_104 = arith.addi %mul3A_103, %get3A_100 : vector<16xi32>
      %swap3A_105 = arith.index_cast %add3A_53 : i32 to index
      %swap3A_106 = arith.constant 32 : index
      %swap3A_107 = tpu.vector_load %arg8[%swap3A_105, %swap3A_106] {strides = array<i32>} : memref<40x128xi32, #tpu.memory_space<vmem>>, vector<1x16xi32>,
      %swap3A_108 = vector.shape_cast %swap3A_107 : vector<1x16xi32> to vector<16xi32>
      %swap3A_109 = vector.shape_cast %add3A_104 : vector<16xi32> to vector<1x16xi32>
      tpu.vector_store %arg8[%swap3A_105, %swap3A_106], %swap3A_109 {strides = array<i32>} : memref<40x128xi32, #tpu.memory_space<vmem>>, vector<1x16xi32>,
      %mul3A_110 = arith.constant 128 : i32
      %mul3A_111 = arith.muli %add3A_53, %mul3A_110 : i32
      %add3A_112 = arith.constant 48 : i32
      %add3A_113 = arith.addi %mul3A_111, %add3A_112 : i32
      %get3A_114 = arith.index_cast %add3A_113 : i32 to index
      %get3A_115 = tpu.vector_load %arg6[%get3A_114] {strides = array<i32>} : memref<5120xi32, #tpu.memory_space<vmem>>, vector<16xi32>,
      %get3A_116 = vector.shape_cast %get3A_115 : vector<16xi32> to vector<16xi32>
      %get3A_117 = arith.index_cast %add3A_113 : i32 to index
      %get3A_118 = tpu.vector_load %arg7[%get3A_117] {strides = array<i32>} : memref<5120xi32, #tpu.memory_space<vmem>>, vector<16xi32>,
      %get3A_119 = vector.shape_cast %get3A_118 : vector<16xi32> to vector<16xi32>
      %mul3A_120 = arith.constant 10240 : i32
      %mul3A_121 = vector.broadcast %mul3A_120 : i32 to vector<16xi32>
      %mul3A_122 = arith.muli %get3A_116, %mul3A_121 : vector<16xi32>
      %add3A_123 = arith.addi %mul3A_122, %get3A_119 : vector<16xi32>
      %swap3A_124 = arith.index_cast %add3A_53 : i32 to index
      %swap3A_125 = arith.constant 48 : index
      %swap3A_126 = tpu.vector_load %arg8[%swap3A_124, %swap3A_125] {strides = array<i32>} : memref<40x128xi32, #tpu.memory_space<vmem>>, vector<1x16xi32>,
      %swap3A_127 = vector.shape_cast %swap3A_126 : vector<1x16xi32> to vector<16xi32>
      %swap3A_128 = vector.shape_cast %add3A_123 : vector<16xi32> to vector<1x16xi32>
      tpu.vector_store %arg8[%swap3A_124, %swap3A_125], %swap3A_128 {strides = array<i32>} : memref<40x128xi32, #tpu.memory_space<vmem>>, vector<1x16xi32>,
      %mul3A_129 = arith.constant 128 : i32
      %mul3A_130 = arith.muli %add3A_53, %mul3A_129 : i32
      %add3A_131 = arith.constant 64 : i32
      %add3A_132 = arith.addi %mul3A_130, %add3A_131 : i32
      %get3A_133 = arith.index_cast %add3A_132 : i32 to index
      %get3A_134 = tpu.vector_load %arg6[%get3A_133] {strides = array<i32>} : memref<5120xi32, #tpu.memory_space<vmem>>, vector<16xi32>,
      %get3A_135 = vector.shape_cast %get3A_134 : vector<16xi32> to vector<16xi32>
      %get3A_136 = arith.index_cast %add3A_132 : i32 to index
      %get3A_137 = tpu.vector_load %arg7[%get3A_136] {strides = array<i32>} : memref<5120xi32, #tpu.memory_space<vmem>>, vector<16xi32>,
      %get3A_138 = vector.shape_cast %get3A_137 : vector<16xi32> to vector<16xi32>
      %mul3A_139 = arith.constant 10240 : i32
      %mul3A_140 = vector.broadcast %mul3A_139 : i32 to vector<16xi32>
      %mul3A_141 = arith.muli %get3A_135, %mul3A_140 : vector<16xi32>
      %add3A_142 = arith.addi %mul3A_141, %get3A_138 : vector<16xi32>
      %swap3A_143 = arith.index_cast %add3A_53 : i32 to index
      %swap3A_144 = arith.constant 64 : index
      %swap3A_145 = tpu.vector_load %arg8[%swap3A_143, %swap3A_144] {strides = array<i32>} : memref<40x128xi32, #tpu.memory_space<vmem>>, vector<1x16xi32>,
      %swap3A_146 = vector.shape_cast %swap3A_145 : vector<1x16xi32> to vector<16xi32>
      %swap3A_147 = vector.shape_cast %add3A_142 : vector<16xi32> to vector<1x16xi32>
      tpu.vector_store %arg8[%swap3A_143, %swap3A_144], %swap3A_147 {strides = array<i32>} : memref<40x128xi32, #tpu.memory_space<vmem>>, vector<1x16xi32>,
      %mul3A_148 = arith.constant 128 : i32
      %mul3A_149 = arith.muli %add3A_53, %mul3A_148 : i32
      %add3A_150 = arith.constant 80 : i32
      %add3A_151 = arith.addi %mul3A_149, %add3A_150 : i32
      %get3A_152 = arith.index_cast %add3A_151 : i32 to index
      %get3A_153 = tpu.vector_load %arg6[%get3A_152] {strides = array<i32>} : memref<5120xi32, #tpu.memory_space<vmem>>, vector<16xi32>,
      %get3A_154 = vector.shape_cast %get3A_153 : vector<16xi32> to vector<16xi32>
      %get3A_155 = arith.index_cast %add3A_151 : i32 to index
      %get3A_156 = tpu.vector_load %arg7[%get3A_155] {strides = array<i32>} : memref<5120xi32, #tpu.memory_space<vmem>>, vector<16xi32>,
      %get3A_157 = vector.shape_cast %get3A_156 : vector<16xi32> to vector<16xi32>
      %mul3A_158 = arith.constant 10240 : i32
      %mul3A_159 = vector.broadcast %mul3A_158 : i32 to vector<16xi32>
      %mul3A_160 = arith.muli %get3A_154, %mul3A_159 : vector<16xi32>
      %add3A_161 = arith.addi %mul3A_160, %get3A_157 : vector<16xi32>
      %swap3A_162 = arith.index_cast %add3A_53 : i32 to index
      %swap3A_163 = arith.constant 80 : index
      %swap3A_164 = tpu.vector_load %arg8[%swap3A_162, %swap3A_163] {strides = array<i32>} : memref<40x128xi32, #tpu.memory_space<vmem>>, vector<1x16xi32>,
      %swap3A_165 = vector.shape_cast %swap3A_164 : vector<1x16xi32> to vector<16xi32>
      %swap3A_166 = vector.shape_cast %add3A_161 : vector<16xi32> to vector<1x16xi32>
      tpu.vector_store %arg8[%swap3A_162, %swap3A_163], %swap3A_166 {strides = array<i32>} : memref<40x128xi32, #tpu.memory_space<vmem>>, vector<1x16xi32>,
      %mul3A_167 = arith.constant 128 : i32
      %mul3A_168 = arith.muli %add3A_53, %mul3A_167 : i32
      %add3A_169 = arith.constant 96 : i32
      %add3A_170 = arith.addi %mul3A_168, %add3A_169 : i32
      %get3A_171 = arith.index_cast %add3A_170 : i32 to index
      %get3A_172 = tpu.vector_load %arg6[%get3A_171] {strides = array<i32>} : memref<5120xi32, #tpu.memory_space<vmem>>, vector<16xi32>,
      %get3A_173 = vector.shape_cast %get3A_172 : vector<16xi32> to vector<16xi32>
      %get3A_174 = arith.index_cast %add3A_170 : i32 to index
      %get3A_175 = tpu.vector_load %arg7[%get3A_174] {strides = array<i32>} : memref<5120xi32, #tpu.memory_space<vmem>>, vector<16xi32>,
      %get3A_176 = vector.shape_cast %get3A_175 : vector<16xi32> to vector<16xi32>
      %mul3A_177 = arith.constant 10240 : i32
      %mul3A_178 = vector.broadcast %mul3A_177 : i32 to vector<16xi32>
      %mul3A_179 = arith.muli %get3A_173, %mul3A_178 : vector<16xi32>
      %add3A_180 = arith.addi %mul3A_179, %get3A_176 : vector<16xi32>
      %swap3A_181 = arith.index_cast %add3A_53 : i32 to index
      %swap3A_182 = arith.constant 96 : index
      %swap3A_183 = tpu.vector_load %arg8[%swap3A_181, %swap3A_182] {strides = array<i32>} : memref<40x128xi32, #tpu.memory_space<vmem>>, vector<1x16xi32>,
      %swap3A_184 = vector.shape_cast %swap3A_183 : vector<1x16xi32> to vector<16xi32>
      %swap3A_185 = vector.shape_cast %add3A_180 : vector<16xi32> to vector<1x16xi32>
      tpu.vector_store %arg8[%swap3A_181, %swap3A_182], %swap3A_185 {strides = array<i32>} : memref<40x128xi32, #tpu.memory_space<vmem>>, vector<1x16xi32>,
      %mul3A_186 = arith.constant 128 : i32
      %mul3A_187 = arith.muli %add3A_53, %mul3A_186 : i32
      %add3A_188 = arith.constant 112 : i32
      %add3A_189 = arith.addi %mul3A_187, %add3A_188 : i32
      %get3A_190 = arith.index_cast %add3A_189 : i32 to index
      %get3A_191 = tpu.vector_load %arg6[%get3A_190] {strides = array<i32>} : memref<5120xi32, #tpu.memory_space<vmem>>, vector<16xi32>,
      %get3A_192 = vector.shape_cast %get3A_191 : vector<16xi32> to vector<16xi32>
      %get3A_193 = arith.index_cast %add3A_189 : i32 to index
      %get3A_194 = tpu.vector_load %arg7[%get3A_193] {strides = array<i32>} : memref<5120xi32, #tpu.memory_space<vmem>>, vector<16xi32>,
      %get3A_195 = vector.shape_cast %get3A_194 : vector<16xi32> to vector<16xi32>
      %mul3A_196 = arith.constant 10240 : i32
      %mul3A_197 = vector.broadcast %mul3A_196 : i32 to vector<16xi32>
      %mul3A_198 = arith.muli %get3A_192, %mul3A_197 : vector<16xi32>
      %add3A_199 = arith.addi %mul3A_198, %get3A_195 : vector<16xi32>
      %swap3A_200 = arith.index_cast %add3A_53 : i32 to index
      %swap3A_201 = arith.constant 112 : index
      %swap3A_202 = tpu.vector_load %arg8[%swap3A_200, %swap3A_201] {strides = array<i32>} : memref<40x128xi32, #tpu.memory_space<vmem>>, vector<1x16xi32>,
      %swap3A_203 = vector.shape_cast %swap3A_202 : vector<1x16xi32> to vector<16xi32>
      %swap3A_204 = vector.shape_cast %add3A_199 : vector<16xi32> to vector<1x16xi32>
      tpu.vector_store %arg8[%swap3A_200, %swap3A_201], %swap3A_204 {strides = array<i32>} : memref<40x128xi32, #tpu.memory_space<vmem>>, vector<1x16xi32>,
    }
    %scan3A_38 = arith.constant 40 : i32
    %scan3A_39 = arith.constant 0 : i32
    %scan3A_40 = arith.constant 40 : i32
    %scan3A_41 = arith.addi %scan3A_39, %scan3A_40 : i32
    %scan3A_42 = arith.constant 1 : i32
    scf.for %scan3A_49 = %scan3A_39 to %scan3A_41 step %scan3A_42  : i32 {
      %mul3A_50 = arith.constant 1 : i32
      %mul3A_51 = arith.muli %scan3A_49, %mul3A_50 : i32
      %add3A_52 = arith.constant 0 : i32
      %add3A_53 = arith.addi %add3A_52, %mul3A_51 : i32
      %dma_start3A = arith.constant 0 : i32
      %dma_start3A_54 = tpu.memref_slice %arg8[%add3A_53, %dma_start3A] : memref<40x128xi32, #tpu.memory_space<vmem>> -> memref<1x128xi32, #tpu.memory_space<vmem>>
      %dma_start3A_55 = tpu.memref_squeeze %dma_start3A_54 : memref<1x128xi32, #tpu.memory_space<vmem>> -> memref<128xi32, #tpu.memory_space<vmem>>
      %dma_start3A_56 = arith.constant 0 : i32
      %dma_start3A_57 = tpu.memref_slice %arg4[%dma_start3A_56] : memref<102400000xf32, #tpu.memory_space<hbm>> -> memref<102400000xf32, #tpu.memory_space<hbm>>
      tpu.enqueue_indirect_dma source(%arg9 : memref<128xf32, #tpu.memory_space<vmem>>) target(%dma_start3A_57 : memref<102400000xf32, #tpu.memory_space<hbm>>) offsets(%dma_start3A_55 : memref<128xi32, #tpu.memory_space<vmem>>) semaphore(%arg10 : memref<!tpu.dma_semaphore, #tpu.memory_space<semaphore_mem>>)
    }
    %scan3A_43 = arith.constant 40 : i32
    %scan3A_44 = arith.constant 0 : i32
    %scan3A_45 = arith.constant 40 : i32
    %scan3A_46 = arith.addi %scan3A_44, %scan3A_45 : i32
    %scan3A_47 = arith.constant 1 : i32
    scf.for %scan3A_49 = %scan3A_44 to %scan3A_46 step %scan3A_47  : i32 {
      %mul3A_50 = arith.constant 1 : i32
      %mul3A_51 = arith.muli %scan3A_49, %mul3A_50 : i32
      %add3A_52 = arith.constant 0 : i32
      %add3A_53 = arith.addi %add3A_52, %mul3A_51 : i32
      %dma_wait3A = arith.constant 0 : i32
      %dma_wait3A_54 = arith.constant 0 : i32
      %dma_wait3A_55 = tpu.memref_slice %arg8[%dma_wait3A, %dma_wait3A_54] : memref<40x128xi32, #tpu.memory_space<vmem>> -> memref<1x128xi32, #tpu.memory_space<vmem>>
      %dma_wait3A_56 = tpu.memref_squeeze %dma_wait3A_55 : memref<1x128xi32, #tpu.memory_space<vmem>> -> memref<128xi32, #tpu.memory_space<vmem>>
      %dma_wait3A_57 = arith.constant 0 : i32
      %dma_wait3A_58 = tpu.memref_slice %arg4[%dma_wait3A_57] : memref<102400000xf32, #tpu.memory_space<hbm>> -> memref<102400000xf32, #tpu.memory_space<hbm>>
      tpu.wait_indirect_dma semaphore(%arg10 : memref<!tpu.dma_semaphore, #tpu.memory_space<semaphore_mem>>) src(%arg9 : memref<128xf32, #tpu.memory_space<vmem>>) dst(%dma_wait3A_58 : memref<102400000xf32, #tpu.memory_space<hbm>>)
    }
    %scan3A_48 = arith.constant 40 : i32
    return
  }
}

#map = affine_map<(d0, d1) -> (0)>
module attributes {stable_mosaic.version = 14 : i64} {
  func.func @new_body(%arg0: i32, %arg1: i32, %arg2: memref<163840xi32, #tpu.memory_space<hbm>>, %arg3: memref<163840xi32, #tpu.memory_space<hbm>>, %arg4: memref<102400000xf32, #tpu.memory_space<hbm>>, %arg5: memref<102400000xf32, #tpu.memory_space<hbm>>, %arg6: memref<5120xi32, #tpu.memory_space<vmem>>, %arg7: memref<5120xi32, #tpu.memory_space<vmem>>, %arg8: memref<40x128xi32, #tpu.memory_space<vmem>>, %arg9: memref<128xf32, #tpu.memory_space<vmem>>, %arg10: memref<!tpu.dma_semaphore, #tpu.memory_space<semaphore_mem>>) attributes {dimension_semantics = [#tpu.dimension_semantics<core_parallel>, #tpu.dimension_semantics<subcore_parallel>], iteration_bounds = array<i64: 2, 16>, scalar_prefetch = 0 : i64, scratch_operands = 5 : i64, tpu.core_type = #tpu.core_type<sc_vector_subcore>, window_params = [{transform_indices = #map}, {transform_indices = #map}, {transform_indices = #map}, {transform_indices = #map}]} {
    %mul3A = arith.constant 2 : i32
    %mul3A_0 = arith.muli %arg1, %mul3A : i32
    %add3A = arith.addi %mul3A_0, %arg0 : i32
    %mul3A_1 = arith.constant 5120 : i32
    %mul3A_2 = arith.muli %add3A, %mul3A_1 : i32
    "tpu.region"() ({
      %run_scoped3A = tpu.sem_alloc : memref<!tpu.dma_semaphore, #tpu.memory_space<semaphore_mem>>
      %dma_start3A = tpu.memref_slice %arg2[%mul3A_2] : memref<163840xi32, #tpu.memory_space<hbm>> -> memref<5120xi32, #tpu.memory_space<hbm>>
      %dma_start3A_49 = tpu.memref_slice %arg2[%mul3A_2] : memref<163840xi32, #tpu.memory_space<hbm>> -> memref<5120xi32, #tpu.memory_space<hbm>>
      tpu.enqueue_dma source(%dma_start3A_49 : memref<5120xi32, #tpu.memory_space<hbm>>) target(%arg6 : memref<5120xi32, #tpu.memory_space<vmem>>) target_semaphore(%run_scoped3A : memref<!tpu.dma_semaphore, #tpu.memory_space<semaphore_mem>>)
      %dma_wait3A = tpu.memref_slice %arg2[%mul3A_2] : memref<163840xi32, #tpu.memory_space<hbm>> -> memref<5120xi32, #tpu.memory_space<hbm>>
      %dma_wait3A_50 = tpu.memref_slice %arg2[%mul3A_2] : memref<163840xi32, #tpu.memory_space<hbm>> -> memref<5120xi32, #tpu.memory_space<hbm>>
      tpu.wait_dma2 semaphore(%run_scoped3A : memref<!tpu.dma_semaphore, #tpu.memory_space<semaphore_mem>>) src(%dma_wait3A_50 : memref<5120xi32, #tpu.memory_space<hbm>>) dst(%arg6 : memref<5120xi32, #tpu.memory_space<vmem>>)
      tpu.yield
    }) : () -> ()
    "tpu.region"() ({
      %run_scoped3A = tpu.sem_alloc : memref<!tpu.dma_semaphore, #tpu.memory_space<semaphore_mem>>
      %dma_start3A = tpu.memref_slice %arg3[%mul3A_2] : memref<163840xi32, #tpu.memory_space<hbm>> -> memref<5120xi32, #tpu.memory_space<hbm>>
      %dma_start3A_49 = tpu.memref_slice %arg3[%mul3A_2] : memref<163840xi32, #tpu.memory_space<hbm>> -> memref<5120xi32, #tpu.memory_space<hbm>>
      tpu.enqueue_dma source(%dma_start3A_49 : memref<5120xi32, #tpu.memory_space<hbm>>) target(%arg7 : memref<5120xi32, #tpu.memory_space<vmem>>) target_semaphore(%run_scoped3A : memref<!tpu.dma_semaphore, #tpu.memory_space<semaphore_mem>>)
      %dma_wait3A = tpu.memref_slice %arg3[%mul3A_2] : memref<163840xi32, #tpu.memory_space<hbm>> -> memref<5120xi32, #tpu.memory_space<hbm>>
      %dma_wait3A_50 = tpu.memref_slice %arg3[%mul3A_2] : memref<163840xi32, #tpu.memory_space<hbm>> -> memref<5120xi32, #tpu.memory_space<hbm>>
      tpu.wait_dma2 semaphore(%run_scoped3A : memref<!tpu.dma_semaphore, #tpu.memory_space<semaphore_mem>>) src(%dma_wait3A_50 : memref<5120xi32, #tpu.memory_space<hbm>>) dst(%arg7 : memref<5120xi32, #tpu.memory_space<vmem>>)
      tpu.yield
    }) : () -> ()
    %broadcast_in_dim3A = arith.constant 1.000000e+00 : f32
    %broadcast_in_dim3A_3 = vector.broadcast %broadcast_in_dim3A : f32 to vector<16xf32>
    %swap3A = arith.constant 0 : index
    %swap3A_4 = tpu.vector_load %arg9[%swap3A] {strides = array<i32>} : memref<128xf32, #tpu.memory_space<vmem>>, vector<16xf32>,
    %swap3A_5 = vector.shape_cast %swap3A_4 : vector<16xf32> to vector<16xf32>
    %swap3A_6 = vector.shape_cast %broadcast_in_dim3A_3 : vector<16xf32> to vector<16xf32>
    tpu.vector_store %arg9[%swap3A], %swap3A_6 {strides = array<i32>} : memref<128xf32, #tpu.memory_space<vmem>>, vector<16xf32>,
    %swap3A_7 = arith.constant 16 : index
    %swap3A_8 = tpu.vector_load %arg9[%swap3A_7] {strides = array<i32>} : memref<128xf32, #tpu.memory_space<vmem>>, vector<16xf32>,
    %swap3A_9 = vector.shape_cast %swap3A_8 : vector<16xf32> to vector<16xf32>
    %swap3A_10 = vector.shape_cast %broadcast_in_dim3A_3 : vector<16xf32> to vector<16xf32>
    tpu.vector_store %arg9[%swap3A_7], %swap3A_10 {strides = array<i32>} : memref<128xf32, #tpu.memory_space<vmem>>, vector<16xf32>,
    %swap3A_11 = arith.constant 32 : index
    %swap3A_12 = tpu.vector_load %arg9[%swap3A_11] {strides = array<i32>} : memref<128xf32, #tpu.memory_space<vmem>>, vector<16xf32>,
    %swap3A_13 = vector.shape_cast %swap3A_12 : vector<16xf32> to vector<16xf32>
    %swap3A_14 = vector.shape_cast %broadcast_in_dim3A_3 : vector<16xf32> to vector<16xf32>
    tpu.vector_store %arg9[%swap3A_11], %swap3A_14 {strides = array<i32>} : memref<128xf32, #tpu.memory_space<vmem>>, vector<16xf32>,
    %swap3A_15 = arith.constant 48 : index
    %swap3A_16 = tpu.vector_load %arg9[%swap3A_15] {strides = array<i32>} : memref<128xf32, #tpu.memory_space<vmem>>, vector<16xf32>,
    %swap3A_17 = vector.shape_cast %swap3A_16 : vector<16xf32> to vector<16xf32>
    %swap3A_18 = vector.shape_cast %broadcast_in_dim3A_3 : vector<16xf32> to vector<16xf32>
    tpu.vector_store %arg9[%swap3A_15], %swap3A_18 {strides = array<i32>} : memref<128xf32, #tpu.memory_space<vmem>>, vector<16xf32>,
    %swap3A_19 = arith.constant 64 : index
    %swap3A_20 = tpu.vector_load %arg9[%swap3A_19] {strides = array<i32>} : memref<128xf32, #tpu.memory_space<vmem>>, vector<16xf32>,
    %swap3A_21 = vector.shape_cast %swap3A_20 : vector<16xf32> to vector<16xf32>
    %swap3A_22 = vector.shape_cast %broadcast_in_dim3A_3 : vector<16xf32> to vector<16xf32>
    tpu.vector_store %arg9[%swap3A_19], %swap3A_22 {strides = array<i32>} : memref<128xf32, #tpu.memory_space<vmem>>, vector<16xf32>,
    %swap3A_23 = arith.constant 80 : index
    %swap3A_24 = tpu.vector_load %arg9[%swap3A_23] {strides = array<i32>} : memref<128xf32, #tpu.memory_space<vmem>>, vector<16xf32>,
    %swap3A_25 = vector.shape_cast %swap3A_24 : vector<16xf32> to vector<16xf32>
    %swap3A_26 = vector.shape_cast %broadcast_in_dim3A_3 : vector<16xf32> to vector<16xf32>
    tpu.vector_store %arg9[%swap3A_23], %swap3A_26 {strides = array<i32>} : memref<128xf32, #tpu.memory_space<vmem>>, vector<16xf32>,
    %swap3A_27 = arith.constant 96 : index
    %swap3A_28 = tpu.vector_load %arg9[%swap3A_27] {strides = array<i32>} : memref<128xf32, #tpu.memory_space<vmem>>, vector<16xf32>,
    %swap3A_29 = vector.shape_cast %swap3A_28 : vector<16xf32> to vector<16xf32>
    %swap3A_30 = vector.shape_cast %broadcast_in_dim3A_3 : vector<16xf32> to vector<16xf32>
    tpu.vector_store %arg9[%swap3A_27], %swap3A_30 {strides = array<i32>} : memref<128xf32, #tpu.memory_space<vmem>>, vector<16xf32>,
    %swap3A_31 = arith.constant 112 : index
    %swap3A_32 = tpu.vector_load %arg9[%swap3A_31] {strides = array<i32>} : memref<128xf32, #tpu.memory_space<vmem>>, vector<16xf32>,
    %swap3A_33 = vector.shape_cast %swap3A_32 : vector<16xf32> to vector<16xf32>
    %swap3A_34 = vector.shape_cast %broadcast_in_dim3A_3 : vector<16xf32> to vector<16xf32>
    tpu.vector_store %arg9[%swap3A_31], %swap3A_34 {strides = array<i32>} : memref<128xf32, #tpu.memory_space<vmem>>, vector<16xf32>,
    %scan3A = arith.constant 0 : i32
    %scan3A_35 = arith.constant 40 : i32
    %scan3A_36 = arith.addi %scan3A, %scan3A_35 : i32
    %scan3A_37 = arith.constant 1 : i32
    scf.for %scan3A_49 = %scan3A to %scan3A_36 step %scan3A_37  : i32 {
      %mul3A_50 = arith.constant 1 : i32
      %mul3A_51 = arith.muli %scan3A_49, %mul3A_50 : i32
      %add3A_52 = arith.constant 0 : i32
      %add3A_53 = arith.addi %add3A_52, %mul3A_51 : i32
      %mul3A_54 = arith.constant 128 : i32
      %mul3A_55 = arith.muli %add3A_53, %mul3A_54 : i32
      %add3A_56 = arith.constant 0 : i32
      %add3A_57 = arith.addi %mul3A_55, %add3A_56 : i32
      %get3A = arith.index_cast %add3A_57 : i32 to index
      %get3A_58 = tpu.vector_load %arg6[%get3A] {strides = array<i32>} : memref<5120xi32, #tpu.memory_space<vmem>>, vector<16xi32>,
      %get3A_59 = vector.shape_cast %get3A_58 : vector<16xi32> to vector<16xi32>
      %get3A_60 = arith.index_cast %add3A_57 : i32 to index
      %get3A_61 = tpu.vector_load %arg7[%get3A_60] {strides = array<i32>} : memref<5120xi32, #tpu.memory_space<vmem>>, vector<16xi32>,
      %get3A_62 = vector.shape_cast %get3A_61 : vector<16xi32> to vector<16xi32>
      %mul3A_63 = arith.constant 10240 : i32
      %mul3A_64 = vector.broadcast %mul3A_63 : i32 to vector<16xi32>
      %mul3A_65 = arith.muli %get3A_59, %mul3A_64 : vector<16xi32>
      %add3A_66 = arith.addi %mul3A_65, %get3A_62 : vector<16xi32>
      %swap3A_67 = arith.index_cast %add3A_53 : i32 to index
      %swap3A_68 = arith.constant 0 : index
      %swap3A_69 = tpu.vector_load %arg8[%swap3A_67, %swap3A_68] {strides = array<i32>} : memref<40x128xi32, #tpu.memory_space<vmem>>, vector<1x16xi32>,
      %swap3A_70 = vector.shape_cast %swap3A_69 : vector<1x16xi32> to vector<16xi32>
      %swap3A_71 = vector.shape_cast %add3A_66 : vector<16xi32> to vector<1x16xi32>
      tpu.vector_store %arg8[%swap3A_67, %swap3A_68], %swap3A_71 {strides = array<i32>} : memref<40x128xi32, #tpu.memory_space<vmem>>, vector<1x16xi32>,
      %mul3A_72 = arith.constant 128 : i32
      %mul3A_73 = arith.muli %add3A_53, %mul3A_72 : i32
      %add3A_74 = arith.constant 16 : i32
      %add3A_75 = arith.addi %mul3A_73, %add3A_74 : i32
      %get3A_76 = arith.index_cast %add3A_75 : i32 to index
      %get3A_77 = tpu.vector_load %arg6[%get3A_76] {strides = array<i32>} : memref<5120xi32, #tpu.memory_space<vmem>>, vector<16xi32>,
      %get3A_78 = vector.shape_cast %get3A_77 : vector<16xi32> to vector<16xi32>
      %get3A_79 = arith.index_cast %add3A_75 : i32 to index
      %get3A_80 = tpu.vector_load %arg7[%get3A_79] {strides = array<i32>} : memref<5120xi32, #tpu.memory_space<vmem>>, vector<16xi32>,
      %get3A_81 = vector.shape_cast %get3A_80 : vector<16xi32> to vector<16xi32>
      %mul3A_82 = arith.constant 10240 : i32
      %mul3A_83 = vector.broadcast %mul3A_82 : i32 to vector<16xi32>
      %mul3A_84 = arith.muli %get3A_78, %mul3A_83 : vector<16xi32>
      %add3A_85 = arith.addi %mul3A_84, %get3A_81 : vector<16xi32>
      %swap3A_86 = arith.index_cast %add3A_53 : i32 to index
      %swap3A_87 = arith.constant 16 : index
      %swap3A_88 = tpu.vector_load %arg8[%swap3A_86, %swap3A_87] {strides = array<i32>} : memref<40x128xi32, #tpu.memory_space<vmem>>, vector<1x16xi32>,
      %swap3A_89 = vector.shape_cast %swap3A_88 : vector<1x16xi32> to vector<16xi32>
      %swap3A_90 = vector.shape_cast %add3A_85 : vector<16xi32> to vector<1x16xi32>
      tpu.vector_store %arg8[%swap3A_86, %swap3A_87], %swap3A_90 {strides = array<i32>} : memref<40x128xi32, #tpu.memory_space<vmem>>, vector<1x16xi32>,
      %mul3A_91 = arith.constant 128 : i32
      %mul3A_92 = arith.muli %add3A_53, %mul3A_91 : i32
      %add3A_93 = arith.constant 32 : i32
      %add3A_94 = arith.addi %mul3A_92, %add3A_93 : i32
      %get3A_95 = arith.index_cast %add3A_94 : i32 to index
      %get3A_96 = tpu.vector_load %arg6[%get3A_95] {strides = array<i32>} : memref<5120xi32, #tpu.memory_space<vmem>>, vector<16xi32>,
      %get3A_97 = vector.shape_cast %get3A_96 : vector<16xi32> to vector<16xi32>
      %get3A_98 = arith.index_cast %add3A_94 : i32 to index
      %get3A_99 = tpu.vector_load %arg7[%get3A_98] {strides = array<i32>} : memref<5120xi32, #tpu.memory_space<vmem>>, vector<16xi32>,
      %get3A_100 = vector.shape_cast %get3A_99 : vector<16xi32> to vector<16xi32>
      %mul3A_101 = arith.constant 10240 : i32
      %mul3A_102 = vector.broadcast %mul3A_101 : i32 to vector<16xi32>
      %mul3A_103 = arith.muli %get3A_97, %mul3A_102 : vector<16xi32>
      %add3A_104 = arith.addi %mul3A_103, %get3A_100 : vector<16xi32>
      %swap3A_105 = arith.index_cast %add3A_53 : i32 to index
      %swap3A_106 = arith.constant 32 : index
      %swap3A_107 = tpu.vector_load %arg8[%swap3A_105, %swap3A_106] {strides = array<i32>} : memref<40x128xi32, #tpu.memory_space<vmem>>, vector<1x16xi32>,
      %swap3A_108 = vector.shape_cast %swap3A_107 : vector<1x16xi32> to vector<16xi32>
      %swap3A_109 = vector.shape_cast %add3A_104 : vector<16xi32> to vector<1x16xi32>
      tpu.vector_store %arg8[%swap3A_105, %swap3A_106], %swap3A_109 {strides = array<i32>} : memref<40x128xi32, #tpu.memory_space<vmem>>, vector<1x16xi32>,
      %mul3A_110 = arith.constant 128 : i32
      %mul3A_111 = arith.muli %add3A_53, %mul3A_110 : i32
      %add3A_112 = arith.constant 48 : i32
      %add3A_113 = arith.addi %mul3A_111, %add3A_112 : i32
      %get3A_114 = arith.index_cast %add3A_113 : i32 to index
      %get3A_115 = tpu.vector_load %arg6[%get3A_114] {strides = array<i32>} : memref<5120xi32, #tpu.memory_space<vmem>>, vector<16xi32>,
      %get3A_116 = vector.shape_cast %get3A_115 : vector<16xi32> to vector<16xi32>
      %get3A_117 = arith.index_cast %add3A_113 : i32 to index
      %get3A_118 = tpu.vector_load %arg7[%get3A_117] {strides = array<i32>} : memref<5120xi32, #tpu.memory_space<vmem>>, vector<16xi32>,
      %get3A_119 = vector.shape_cast %get3A_118 : vector<16xi32> to vector<16xi32>
      %mul3A_120 = arith.constant 10240 : i32
      %mul3A_121 = vector.broadcast %mul3A_120 : i32 to vector<16xi32>
      %mul3A_122 = arith.muli %get3A_116, %mul3A_121 : vector<16xi32>
      %add3A_123 = arith.addi %mul3A_122, %get3A_119 : vector<16xi32>
      %swap3A_124 = arith.index_cast %add3A_53 : i32 to index
      %swap3A_125 = arith.constant 48 : index
      %swap3A_126 = tpu.vector_load %arg8[%swap3A_124, %swap3A_125] {strides = array<i32>} : memref<40x128xi32, #tpu.memory_space<vmem>>, vector<1x16xi32>,
      %swap3A_127 = vector.shape_cast %swap3A_126 : vector<1x16xi32> to vector<16xi32>
      %swap3A_128 = vector.shape_cast %add3A_123 : vector<16xi32> to vector<1x16xi32>
      tpu.vector_store %arg8[%swap3A_124, %swap3A_125], %swap3A_128 {strides = array<i32>} : memref<40x128xi32, #tpu.memory_space<vmem>>, vector<1x16xi32>,
      %mul3A_129 = arith.constant 128 : i32
      %mul3A_130 = arith.muli %add3A_53, %mul3A_129 : i32
      %add3A_131 = arith.constant 64 : i32
      %add3A_132 = arith.addi %mul3A_130, %add3A_131 : i32
      %get3A_133 = arith.index_cast %add3A_132 : i32 to index
      %get3A_134 = tpu.vector_load %arg6[%get3A_133] {strides = array<i32>} : memref<5120xi32, #tpu.memory_space<vmem>>, vector<16xi32>,
      %get3A_135 = vector.shape_cast %get3A_134 : vector<16xi32> to vector<16xi32>
      %get3A_136 = arith.index_cast %add3A_132 : i32 to index
      %get3A_137 = tpu.vector_load %arg7[%get3A_136] {strides = array<i32>} : memref<5120xi32, #tpu.memory_space<vmem>>, vector<16xi32>,
      %get3A_138 = vector.shape_cast %get3A_137 : vector<16xi32> to vector<16xi32>
      %mul3A_139 = arith.constant 10240 : i32
      %mul3A_140 = vector.broadcast %mul3A_139 : i32 to vector<16xi32>
      %mul3A_141 = arith.muli %get3A_135, %mul3A_140 : vector<16xi32>
      %add3A_142 = arith.addi %mul3A_141, %get3A_138 : vector<16xi32>
      %swap3A_143 = arith.index_cast %add3A_53 : i32 to index
      %swap3A_144 = arith.constant 64 : index
      %swap3A_145 = tpu.vector_load %arg8[%swap3A_143, %swap3A_144] {strides = array<i32>} : memref<40x128xi32, #tpu.memory_space<vmem>>, vector<1x16xi32>,
      %swap3A_146 = vector.shape_cast %swap3A_145 : vector<1x16xi32> to vector<16xi32>
      %swap3A_147 = vector.shape_cast %add3A_142 : vector<16xi32> to vector<1x16xi32>
      tpu.vector_store %arg8[%swap3A_143, %swap3A_144], %swap3A_147 {strides = array<i32>} : memref<40x128xi32, #tpu.memory_space<vmem>>, vector<1x16xi32>,
      %mul3A_148 = arith.constant 128 : i32
      %mul3A_149 = arith.muli %add3A_53, %mul3A_148 : i32
      %add3A_150 = arith.constant 80 : i32
      %add3A_151 = arith.addi %mul3A_149, %add3A_150 : i32
      %get3A_152 = arith.index_cast %add3A_151 : i32 to index
      %get3A_153 = tpu.vector_load %arg6[%get3A_152] {strides = array<i32>} : memref<5120xi32, #tpu.memory_space<vmem>>, vector<16xi32>,
      %get3A_154 = vector.shape_cast %get3A_153 : vector<16xi32> to vector<16xi32>
      %get3A_155 = arith.index_cast %add3A_151 : i32 to index
      %get3A_156 = tpu.vector_load %arg7[%get3A_155] {strides = array<i32>} : memref<5120xi32, #tpu.memory_space<vmem>>, vector<16xi32>,
      %get3A_157 = vector.shape_cast %get3A_156 : vector<16xi32> to vector<16xi32>
      %mul3A_158 = arith.constant 10240 : i32
      %mul3A_159 = vector.broadcast %mul3A_158 : i32 to vector<16xi32>
      %mul3A_160 = arith.muli %get3A_154, %mul3A_159 : vector<16xi32>
      %add3A_161 = arith.addi %mul3A_160, %get3A_157 : vector<16xi32>
      %swap3A_162 = arith.index_cast %add3A_53 : i32 to index
      %swap3A_163 = arith.constant 80 : index
      %swap3A_164 = tpu.vector_load %arg8[%swap3A_162, %swap3A_163] {strides = array<i32>} : memref<40x128xi32, #tpu.memory_space<vmem>>, vector<1x16xi32>,
      %swap3A_165 = vector.shape_cast %swap3A_164 : vector<1x16xi32> to vector<16xi32>
      %swap3A_166 = vector.shape_cast %add3A_161 : vector<16xi32> to vector<1x16xi32>
      tpu.vector_store %arg8[%swap3A_162, %swap3A_163], %swap3A_166 {strides = array<i32>} : memref<40x128xi32, #tpu.memory_space<vmem>>, vector<1x16xi32>,
      %mul3A_167 = arith.constant 128 : i32
      %mul3A_168 = arith.muli %add3A_53, %mul3A_167 : i32
      %add3A_169 = arith.constant 96 : i32
      %add3A_170 = arith.addi %mul3A_168, %add3A_169 : i32
      %get3A_171 = arith.index_cast %add3A_170 : i32 to index
      %get3A_172 = tpu.vector_load %arg6[%get3A_171] {strides = array<i32>} : memref<5120xi32, #tpu.memory_space<vmem>>, vector<16xi32>,
      %get3A_173 = vector.shape_cast %get3A_172 : vector<16xi32> to vector<16xi32>
      %get3A_174 = arith.index_cast %add3A_170 : i32 to index
      %get3A_175 = tpu.vector_load %arg7[%get3A_174] {strides = array<i32>} : memref<5120xi32, #tpu.memory_space<vmem>>, vector<16xi32>,
      %get3A_176 = vector.shape_cast %get3A_175 : vector<16xi32> to vector<16xi32>
      %mul3A_177 = arith.constant 10240 : i32
      %mul3A_178 = vector.broadcast %mul3A_177 : i32 to vector<16xi32>
      %mul3A_179 = arith.muli %get3A_173, %mul3A_178 : vector<16xi32>
      %add3A_180 = arith.addi %mul3A_179, %get3A_176 : vector<16xi32>
      %swap3A_181 = arith.index_cast %add3A_53 : i32 to index
      %swap3A_182 = arith.constant 96 : index
      %swap3A_183 = tpu.vector_load %arg8[%swap3A_181, %swap3A_182] {strides = array<i32>} : memref<40x128xi32, #tpu.memory_space<vmem>>, vector<1x16xi32>,
      %swap3A_184 = vector.shape_cast %swap3A_183 : vector<1x16xi32> to vector<16xi32>
      %swap3A_185 = vector.shape_cast %add3A_180 : vector<16xi32> to vector<1x16xi32>
      tpu.vector_store %arg8[%swap3A_181, %swap3A_182], %swap3A_185 {strides = array<i32>} : memref<40x128xi32, #tpu.memory_space<vmem>>, vector<1x16xi32>,
      %mul3A_186 = arith.constant 128 : i32
      %mul3A_187 = arith.muli %add3A_53, %mul3A_186 : i32
      %add3A_188 = arith.constant 112 : i32
      %add3A_189 = arith.addi %mul3A_187, %add3A_188 : i32
      %get3A_190 = arith.index_cast %add3A_189 : i32 to index
      %get3A_191 = tpu.vector_load %arg6[%get3A_190] {strides = array<i32>} : memref<5120xi32, #tpu.memory_space<vmem>>, vector<16xi32>,
      %get3A_192 = vector.shape_cast %get3A_191 : vector<16xi32> to vector<16xi32>
      %get3A_193 = arith.index_cast %add3A_189 : i32 to index
      %get3A_194 = tpu.vector_load %arg7[%get3A_193] {strides = array<i32>} : memref<5120xi32, #tpu.memory_space<vmem>>, vector<16xi32>,
      %get3A_195 = vector.shape_cast %get3A_194 : vector<16xi32> to vector<16xi32>
      %mul3A_196 = arith.constant 10240 : i32
      %mul3A_197 = vector.broadcast %mul3A_196 : i32 to vector<16xi32>
      %mul3A_198 = arith.muli %get3A_192, %mul3A_197 : vector<16xi32>
      %add3A_199 = arith.addi %mul3A_198, %get3A_195 : vector<16xi32>
      %swap3A_200 = arith.index_cast %add3A_53 : i32 to index
      %swap3A_201 = arith.constant 112 : index
      %swap3A_202 = tpu.vector_load %arg8[%swap3A_200, %swap3A_201] {strides = array<i32>} : memref<40x128xi32, #tpu.memory_space<vmem>>, vector<1x16xi32>,
      %swap3A_203 = vector.shape_cast %swap3A_202 : vector<1x16xi32> to vector<16xi32>
      %swap3A_204 = vector.shape_cast %add3A_199 : vector<16xi32> to vector<1x16xi32>
      tpu.vector_store %arg8[%swap3A_200, %swap3A_201], %swap3A_204 {strides = array<i32>} : memref<40x128xi32, #tpu.memory_space<vmem>>, vector<1x16xi32>,
    }
    %scan3A_38 = arith.constant 40 : i32
    %scan3A_39 = arith.constant 0 : i32
    %scan3A_40 = arith.constant 40 : i32
    %scan3A_41 = arith.addi %scan3A_39, %scan3A_40 : i32
    %scan3A_42 = arith.constant 1 : i32
    scf.for %scan3A_49 = %scan3A_39 to %scan3A_41 step %scan3A_42  : i32 {
      %mul3A_50 = arith.constant 1 : i32
      %mul3A_51 = arith.muli %scan3A_49, %mul3A_50 : i32
      %add3A_52 = arith.constant 0 : i32
      %add3A_53 = arith.addi %add3A_52, %mul3A_51 : i32
      %dma_start3A = arith.constant 0 : i32
      %dma_start3A_54 = tpu.memref_slice %arg8[%add3A_53, %dma_start3A] : memref<40x128xi32, #tpu.memory_space<vmem>> -> memref<1x128xi32, #tpu.memory_space<vmem>>
      %dma_start3A_55 = tpu.memref_squeeze %dma_start3A_54 : memref<1x128xi32, #tpu.memory_space<vmem>> -> memref<128xi32, #tpu.memory_space<vmem>>
      %dma_start3A_56 = arith.constant 0 : i32
      %dma_start3A_57 = tpu.memref_slice %arg4[%dma_start3A_56] : memref<102400000xf32, #tpu.memory_space<hbm>> -> memref<102400000xf32, #tpu.memory_space<hbm>>
      tpu.enqueue_indirect_dma source(%arg9 : memref<128xf32, #tpu.memory_space<vmem>>) target(%dma_start3A_57 : memref<102400000xf32, #tpu.memory_space<hbm>>) offsets(%dma_start3A_55 : memref<128xi32, #tpu.memory_space<vmem>>) semaphore(%arg10 : memref<!tpu.dma_semaphore, #tpu.memory_space<semaphore_mem>>)
    }
    %scan3A_43 = arith.constant 40 : i32
    %scan3A_44 = arith.constant 0 : i32
    %scan3A_45 = arith.constant 40 : i32
    %scan3A_46 = arith.addi %scan3A_44, %scan3A_45 : i32
    %scan3A_47 = arith.constant 1 : i32
    scf.for %scan3A_49 = %scan3A_44 to %scan3A_46 step %scan3A_47  : i32 {
      %mul3A_50 = arith.constant 1 : i32
      %mul3A_51 = arith.muli %scan3A_49, %mul3A_50 : i32
      %add3A_52 = arith.constant 0 : i32
      %add3A_53 = arith.addi %add3A_52, %mul3A_51 : i32
      %dma_wait3A = arith.constant 0 : i32
      %dma_wait3A_54 = arith.constant 0 : i32
      %dma_wait3A_55 = tpu.memref_slice %arg8[%dma_wait3A, %dma_wait3A_54] : memref<40x128xi32, #tpu.memory_space<vmem>> -> memref<1x128xi32, #tpu.memory_space<vmem>>
      %dma_wait3A_56 = tpu.memref_squeeze %dma_wait3A_55 : memref<1x128xi32, #tpu.memory_space<vmem>> -> memref<128xi32, #tpu.memory_space<vmem>>
      %dma_wait3A_57 = arith.constant 0 : i32
      %dma_wait3A_58 = tpu.memref_slice %arg4[%dma_wait3A_57] : memref<102400000xf32, #tpu.memory_space<hbm>> -> memref<102400000xf32, #tpu.memory_space<hbm>>
      tpu.wait_indirect_dma semaphore(%arg10 : memref<!tpu.dma_semaphore, #tpu.memory_space<semaphore_mem>>) src(%arg9 : memref<128xf32, #tpu.memory_space<vmem>>) dst(%dma_wait3A_58 : memref<102400000xf32, #tpu.memory_space<hbm>>)
    }
    %scan3A_48 = arith.constant 40 : i32
    return
  }
}

module attributes {stable_mosaic.version = 14 : i64} {
  func.func @_norm_body(%arg0: i32, %arg1: memref<819200xf32, #tpu.memory_space<vmem>>, %arg2: memref<80x10000xf32, #tpu.memory_space<vmem>>) attributes {dimension_semantics = [#tpu.dimension_semantics<arbitrary>], iteration_bounds = array<i64: 125>, scalar_prefetch = 0 : i64, scratch_operands = 0 : i64, tpu.core_type = #tpu.core_type<tc>, window_params = [{transform_indices = @transform_0, window_bounds = array<i64: 819200>}, {transform_indices = @transform_1, window_bounds = array<i64: 80, 10000>}]} {
    %get3A = arith.constant 0 : index
    %get3A_0 = vector.load %arg1[%get3A] : memref<819200xf32, #tpu.memory_space<vmem>>, vector<819200xf32>
    %reshape3A = vector.shape_cast %get3A_0 : vector<819200xf32> to vector<80x10240xf32>
    %reduce_sum3A = arith.constant dense<0.000000e+00> : vector<80xf32>
    %reduce_sum3A_1 = vector.multi_reduction <add>, %reshape3A, %reduce_sum3A [1] : vector<80x10240xf32> to vector<80xf32>
    %broadcast_in_dim3A = vector.shape_cast %reduce_sum3A_1 : vector<80xf32> to vector<80x1xf32>
    %slice3A = vector.extract_strided_slice %reshape3A {offsets = [0, 0], sizes = [80, 10000], strides = [1, 1]} : vector<80x10240xf32> to vector<80x10000xf32>
    %add3A = arith.constant 1.000000e-10 : f32
    %add3A_2 = vector.broadcast %add3A : f32 to vector<80x1xf32>
    %add3A_3 = arith.addf %broadcast_in_dim3A, %add3A_2 : vector<80x1xf32>
    %div3A = vector.broadcast %add3A_3 : vector<80x1xf32> to vector<80x10000xf32>
    %div3A_4 = arith.divf %slice3A, %div3A : vector<80x10000xf32>
    %swap3A = arith.constant 0 : index
    %swap3A_5 = arith.constant 0 : index
    %swap3A_6 = vector.load %arg2[%swap3A, %swap3A_5] : memref<80x10000xf32, #tpu.memory_space<vmem>>, vector<80x10000xf32>
    tpu.vector_store %arg2[%swap3A, %swap3A_5], %div3A_4 {strides = array<i32>} : memref<80x10000xf32, #tpu.memory_space<vmem>>, vector<80x10000xf32>,
    return
  }
  func.func @transform_0(%arg0: i32) -> i32 {
    %c0_i32 = arith.constant 0 : i32
    return %arg0 : i32
  }
  func.func @transform_1(%arg0: i32) -> (i32, i32) {
    %c0_i32 = arith.constant 0 : i32
    %c0_i32_0 = arith.constant 0 : i32
    return %arg0, %c0_i32 : i32, i32
  }
}

</mosaic_0001>

<sc_bundles>
// kernel: kernel.5.cloned.1.call-start
scs
__scs_entry_jumppad:
0x0: {  	(pc) =	sbr.rel $0x88, $3  }
0x1: {  	(tag) =	ssettag $0x0;
	lr =	simm.s32 $0x1  }
0x2: {  	[smem:$0x3F9F] =	sst lr;
	_ =	strace $0xD0000000  }
0x3: {  	_ = 	snop  }
0x4: {  	_ = 	snop  }
0x5: {  	_ = 	snop  }
0x6: {  	_ = 	snop  }
0x7: {  	_ = 	snop  }
__scs_overlays_trampoline_lowered:
0x8: {  	[smem:$0x3FAE] =	sst s0  }
0x9: {  	[smem:$0x3FAF] =	sst s1  }
0xa: {  	[smem:$0x3FB0] =	sst s2  }
0xb: {  	[smem:$0x3FB1] =	sst s3  }
0xc: {  	[smem:$0x3FB2] =	sst s4  }
0xd: {  	[smem:$0x3FB3] =	sst s5  }
0xe: {  	[smem:$0x3FB4] =	sst s6  }
0xf: {  	[smem:$0x3FB5] =	sst s7  }
0x10: {  	[smem:$0x3FB6] =	sst s8  }
0x11: {  	[smem:$0x3FB7] =	sst s9;
	s0 =	simm.s32 @!p0 $0x0  }
0x12: {  	s1 =	sld [smem:$0x3F9D];
	s0 =	simm.s32 @p0 $0x1  }
0x13: {  	[smem:$0x3FB8] =	sst s0;
	s0 =	simm.s32 @!p1 $0x0  }
0x14: {  	s2 =	sld [smem:$0x3F9C];
	s0 =	simm.s32 @p1 $0x1  }
0x15: {  	[smem:$0x3FB9] =	sst s0;
	s0 =	simm.s32 @!p2 $0x0  }
0x16: {  	s3 =	sld [smem:$0x3FDB];
	s0 =	simm.s32 @p2 $0x1  }
0x17: {  	s4 =	simm.s32 $0x1BF5;
	[smem:$0x3FBB] =	sst s0  }
0x18: {  	s0 =	sld [smem:$0x3F9E];
	_ =	swait.ge [sflag:s4], $0x0  }
0x19: {  	s7 =	sld [smem:$0x3F9F]  }
0x1a: {  	s8 =	sadd.s32 $0xFFFFE003, lr  }
0x1b: {  	s9 =	sadd.s32 $0xFFFFFEF7, lr;
	s5 =	simm.s32 $0xFFFFFFFF;
	p2 =	slt.u32 s8, $0xFFFFF086  }
0x1c: {  	p1 =	slt.u32 s9, $0xF7A;
	s5 =	simm.s32 @!p2 $0x0  }
0x1d: {  	s5 =	simm.s32 @p1 $0x1;
	p0 =	seq.s32 s7, s2  }
0x1e: {  	s7 =	smul.u32 @!p0 $0xF7A, s2;
	p2 =	seq.s32 @!p0 s5, $0x0  }
0x1f: {  	s9 =	smul.u32 $0xF7A, s1;
	s8 =	simm.s32 @!p0 $0x1BF5;
	p2 =	por !p2, p0  }
0x20: {  	[sflag:s8] =	ssyncset.s32 @!p0 $0xFFFFF086;
	s6 =	sadd.s32 @!p0 s3, s7;
	s7 =	simm.s32 @!p0 $0x108  }
0x21: {  	s3 =	sadd.s32 s3, s9;
	s6 =	sadd.s32 @!p0 $0x88, s6;
	s7 =	simm.s32 @p2 $0x1082  }
0x22: {  	[simem:s7], [sflag:s8] =	dma.local @!p0 [hbm:s6], $0xF7A  }
0x23: {  	s9 =	sor.u32 $0xD0000000, s2;
	s6 =	simm.s32 $0x108;
	_ =	swait.ge @!p0 [sflag:s8], $0x0  }
0x24: {  	s3 =	sadd.s32 $0x88, s3;
	s6 =	simm.s32 @!p1 $0x1082;
	[sflag:s4] =	ssyncset.s32 $0xFFFFF086  }
0x25: {  	[simem:s6], [sflag:s4] =	dma.local [hbm:s3], $0xF7A  }
0x26: {  	[smem:$0x3F9F] =	sst s1;
	(tag) =	ssettag s2;
	_ =	strace s9  }
0x27: {  	s1 =	sld [smem:$0x3FAF]  }
0x28: {  	s2 =	sld [smem:$0x3FB0]  }
0x29: {  	s4 =	sld [smem:$0x3FB2]  }
0x2a: {  	p0 =	seq.s32 s5, $0x0;
	s5 =	sld [smem:$0x3FB3]  }
0x2b: {  	s6 =	sld [smem:$0x3FB4]  }
0x2c: {  	s7 =	sld [smem:$0x3FB5]  }
0x2d: {  	s3 =	simm.s32 $0x108;
	s8 =	sld [smem:$0x3FB6]  }
0x2e: {  	s3 =	simm.s32 @!p0 $0x1082;
	s9 =	sld [smem:$0x3FB7]  }
0x2f: {  	lr =	sadd.s32 s0, s3;
	s0 =	sld [smem:$0x3FAE]  }
0x30: {  	s3 =	sld [smem:$0x3FB1]  }
0x31: {  	[smem:$0x3FBA] =	sst s10  }
0x32: {  	s10 =	sld [smem:$0x3FB8];
	_ =	sdelay $0x3  }
0x33: {  	p0 =	seq.s32 s10, $0x1;
	s10 =	sld [smem:$0x3FBA];
	_ =	sdelay $0x3  }
0x34: {  	[smem:$0x3FBA] =	sst s10  }
0x35: {  	s10 =	sld [smem:$0x3FB9];
	_ =	sdelay $0x3  }
0x36: {  	p1 =	seq.s32 s10, $0x1;
	s10 =	sld [smem:$0x3FBA];
	_ =	sdelay $0x3  }
0x37: {  	[smem:$0x3FBA] =	sst s10  }
0x38: {  	s10 =	sld [smem:$0x3FBB]  }
0x39: {  	_ = 	snop;
	(pc) =	sbr.ind lr, $3  }
0x3a: {  	_ = 	snop  }
0x3b: {  	_ = 	snop  }
0x3c: {  	p2 =	seq.s32 s10, $0x1;
	s10 =	sld [smem:$0x3FBA]  }
0x3d: {  	_ =	shalt  }
0x3e: {  	_ =	shalt  }
0x3f: {  	_ =	shalt  }
0x40: {  	_ =	shalt  }
0x41: {  	_ =	shalt  }
0x42: {  	_ =	shalt  }
0x43: {  	_ =	shalt  }
0x44: {  	_ =	shalt  }
0x45: {  	_ =	shalt  }
0x46: {  	_ =	shalt  }
0x47: {  	_ =	shalt  }
0x48: {  	_ =	shalt  }
0x49: {  	_ =	shalt  }
0x4a: {  	_ =	shalt  }
0x4b: {  	_ =	shalt  }
0x4c: {  	_ =	shalt  }
0x4d: {  	_ =	shalt  }
0x4e: {  	_ =	shalt  }
0x4f: {  	_ =	shalt  }
0x50: {  	_ =	shalt  }
0x51: {  	_ =	shalt  }
0x52: {  	_ =	shalt  }
0x53: {  	_ =	shalt  }
0x54: {  	_ =	shalt  }
0x55: {  	_ =	shalt  }
0x56: {  	_ =	shalt  }
0x57: {  	_ =	shalt  }
0x58: {  	_ =	shalt  }
0x59: {  	_ =	shalt  }
0x5a: {  	_ =	shalt  }
0x5b: {  	_ =	shalt  }
0x5c: {  	_ =	shalt  }
0x5d: {  	_ =	shalt  }
0x5e: {  	_ =	shalt  }
0x5f: {  	_ =	shalt  }
0x60: {  	_ =	shalt  }
0x61: {  	_ =	shalt  }
0x62: {  	_ =	shalt  }
0x63: {  	_ =	shalt  }
0x64: {  	_ =	shalt  }
0x65: {  	_ =	shalt  }
0x66: {  	_ =	shalt  }
0x67: {  	_ =	shalt  }
0x68: {  	_ =	shalt  }
0x69: {  	_ =	shalt  }
0x6a: {  	_ =	shalt  }
0x6b: {  	_ =	shalt  }
0x6c: {  	_ =	shalt  }
0x6d: {  	_ =	shalt  }
0x6e: {  	_ =	shalt  }
0x6f: {  	_ =	shalt  }
0x70: {  	_ =	shalt  }
0x71: {  	_ =	shalt  }
0x72: {  	_ =	shalt  }
0x73: {  	_ =	shalt  }
0x74: {  	_ =	shalt  }
0x75: {  	_ =	shalt  }
0x76: {  	_ =	shalt  }
0x77: {  	_ =	shalt  }
0x78: {  	_ =	shalt  }
0x79: {  	_ =	shalt  }
0x7a: {  	_ =	shalt  }
0x7b: {  	_ =	shalt  }
0x7c: {  	_ =	shalt  }
0x7d: {  	_ =	shalt  }
0x7e: {  	_ =	shalt  }
0x7f: {  	_ =	shalt  }
0x80: {  	_ =	shalt  }
0x81: {  	_ =	shalt  }
0x82: {  	_ =	shalt  }
0x83: {  	_ =	shalt  }
0x84: {  	_ =	shalt  }
0x85: {  	_ =	shalt  }
0x86: {  	_ =	shalt  }
0x87: {  	_ =	shalt  }
.Lfunc_end0:
.L_simem_size_0:
called_computation_lowered:
.L_overlay_start_0:
0x88: {  	s2 =	sld [smem:$0x3FD9]  }
0x89: {  	s3 =	sld [smem:$0x3FFE];
	_ =	sdelay $0x1  }
0x8a: {  	s1 =	srdreg.scid  }
0x8b: {  	s0 =	sand.u32 $0x1, s1  }
0x8c: {  	s16 =	sshll.u32 s0, $0xA;
	s2 =	sadd.s32 s3, s2  }
0x8d: {  	s2 =	sadd.s32 s2, s16  }
0x8e: {  	[smem:$0x3FC6] =	sst s2  }
0x8f: {  	_ = 	snop  }
0x90: {  	(tm) =	ssettm $0x1  }
0x91: {  	s17 =	sld [smem:$0x3FFB];
	_ =	sdelay $0x3  }
0x92: {  	_ =	strace s17  }
0x93: {  	s2 =	sld [smem:$0x3FFC];
	_ =	sdelay $0x3  }
0x94: {  	_ =	strace s2  }
0x95: {  	s2 =	sld [smem:$0x3FFD];
	_ =	sdelay $0x3  }
0x96: {  	_ =	strace s2  }
0x97: {  	_ =	strace $0x8FFFFFFF  }
0x98: {  	s18 =	sld [smem:$0x3FDB];
	_ =	sdelay $0x1  }
0x99: {  	s19 =	simm.s32 $_scs_section_size  }
0x9a: {  	s4 =	simm.s32 $_size__tile_overlayer_lowered;
	s5 =	simm.s32 $_tile_overlayer_lowered  }
0x9b: {  	s22 =	simm.s32 $0x1BFF;
	s21 =	sshll.u32 s5, $0x1;
	s2 =	sadd.s32 s19, s18  }
0x9c: {  	s6 =	simm.s32 $0x0;
	s20 =	sshll.u32 s4, $0x1;
	s4 =	sadd.s32 s21, s2  }
0x9d: {  	[timem:s6], [sflag:s22] =	dma.local [hbm:s4], s20  }
0x9e: {  	_ =	swait.ge [sflag:s22], s20  }
0x9f: {  	s3 =	ssub.s32 $0x0, s20;
	[sflag:s22] =	ssyncset.done $0x0  }
0xa0: {  	[sflag:s22] =	ssyncadd.s32 s3;
	_ =	sdelay $0x1  }
0xa1: {  	s23 =	simm.s32 $0x1B8B  }
0xa2: {  	_ =	swait.ge [sflag:s23], $0x1  }
0xa3: {  	[sflag:s23] =	ssyncset.done $0x0  }
0xa4: {  	s25 =	simm.s32 $0x1B8E;
	s24 =	sld [smem:$0x3FFE];
	[sflag:s23] =	ssyncadd.s32 $0xFFFFFFFF  }
0xa5: {  	s26 =	simm.s32 $execute0_lowered;
	[smem:$0x3FD2] =	sst s25  }
0xa6: {  	s4 =	sshll.u32 s26, $0x1;
	_ =	strace $0x80000046;
	[dreg:$0x1] =	wrdreg $0xFFFFFFFF  }
0xa7: {  	s28 =	simm.s32 $_size_execute0_lowered;
	s2 =	sadd.s32 s2, s4;
	[dreg:$0x0] =	wrdreg $0x0  }
0xa8: {  	s4 =	sshll.u32 s28, $0x1;
	[dreg:$0x2] =	wrdreg s2  }
0xa9: {  	[dreg:$0x3] =	wrdreg s4  }
0xaa: {  	[dreg:$0x4] =	wrdreg $0xC0  }
0xab: {  	_ =	task [dreg:s6], $0x5FFFF  }
0xac: {  	[dreg:$0x1] =	wrdreg $0xFFFFFFFF  }
0xad: {  	[dreg:$0x0] =	wrdreg $0x60  }
0xae: {  	[dreg:$0x2] =	wrdreg s24  }
0xaf: {  	[dreg:$0x3] =	wrdreg $0x9  }
0xb0: {  	_ =	task.clear_ibuf [dreg:s6], $0x4FFFF;
	_ =	strace $0x90000046  }
0xb1: {  	s29 =	simm.s32 $0x9;
	_ =	strace $0x80000048  }
0xb2: {  	_ =	swait.ge [sflag:s29], $0x1  }
0xb3: {  	[sflag:s29] =	ssyncadd.s32 $0xFFFFFFFF  }
0xb4: {  	_ =	strace $0x90000048  }
0xb5: {  	_ =	sfence  }
0xb6: {  	s30 =	sld [smem:$0x0];
	_ =	sdelay $0x2  }
0xb7: {  	s31 =	sshll.u32 s1, $0xD;
	s1 =	sshrl.u32 s1, $0x2  }
0xb8: {  	s3 =	sand.u32 $0x4000, s31;
	s1 =	sadd.s32 s1, s30  }
0xb9: {  	s0 =	sor.u32 s3, s0;
	s1 =	sshll.u32 s1, $0x11  }
0xba: {  	s0 =	sor.u32 s1, s0  }
0xbb: {  	s0 =	sadd.s32 $0x8F2B, s0  }
0xbc: {  	[sflag:s0] =	ssyncadd.remote.s32 $0x1  }
0xbd: {  	_ =	sfence.sel $0xFFFF  }
0xbe: {  	[dreg:$0x0] =	wrdreg $0xFFFFFFFF;
	(pc) =	sbr.abs _section_cstart, $3  }
0xbf: {  	[dreg:$0x1] =	wrdreg $0xFFFFFFFF  }
0xc0: {  	_ =	task.clear_ibuf [dreg:s6], $0x2FFFF;
	_ =	strace $0x9FFFFFFF  }
0xc1: {  	(tm) =	ssettm $0x7FFFFFFF  }
tec
execute0_lowered:
.L_overlay_start_1:
0x0: {  	(tag) =	ssettag $0x1  }
0x1: {  	s0 =	srdreg.scid  }
0x2: {  	s2 =	stileid.u32;
	s1 =	rddreg [dreg:$0x0];
	s7 =	simm.s32 $0x2  }
0x3: {  	s9 =	simm.s32 $0x80;
	s11 =	simm.s32 $0x3C00;
	s8 =	simm.s32 $0x3300  }
0x4: {  	s10 =	simm.s32 $0x3380;
	s12 =	simm.s32 $0x3400;
	s13 =	simm.s32 $0x3480  }
0x5: {  	s14 =	simm.s32 $0x3500;
	s15 =	simm.s32 $0x3580;
	s16 =	simm.s32 $0x3600  }
0x6: {  	s17 =	simm.s32 $0x3680;
	s18 =	simm.s32 $0x3700;
	s19 =	simm.s32 $0x3780  }
0x7: {  	s20 =	simm.s32 $0x3800;
	s21 =	simm.s32 $0x3880;
	s22 =	simm.s32 $0x3900  }
0x8: {  	s23 =	simm.s32 $0x3980;
	s24 =	simm.s32 $0x3A00;
	s25 =	simm.s32 $0x3A80  }
0x9: {  	s26 =	simm.s32 $0x3B00;
	s0 =	sand.u32 $0x1, s0;
	s3 =	sshll.u32 s2, $0x1  }
0xa: {  	s28 =	simm.s32 $0x3B80;
	s29 =	simm.s32 $0x1;
	s3 =	sor.u32 s0, s3  }
0xb: {  	s2 =	simm.s32 $0x0;
	s0 =	ssub.s32 $0x2, s0;
	s4 =	smul.u32 $0x280, s3  }
0xc: {  	s30 =	simm.s32 $0x0;
	[smem:$0x7FF] =	sst s2;
	s5 =	sshrl.u32 s0, $0x1  }
0xd: {  	_ =	strace $0x80000047;
	s0 =	ssub.s32 s0, s5;
	s4 =	sadd.s32 s1, s4  }
0xe: {  	v0 =	vimm.f32 $1.000000000e+00;
	s3 =	sadd.s32 $0xA000, s1;
	s6 =	smax.u32 s0, $0x1;
	s5 =	sadd.s32 $0x5000, s4  }
.LBB2_1:
0xf: {  	[tilespmem:s2], [sflag:$0x2] =	stream.linear.gather [hbm4b:s5+s2], $0x1400, $0x38;
	[tilespmem:$0x3C80] =	vst v63  }
0x10: {  	_ =	swait.ge [sflag:s7], $0x1400  }
0x11: {  	[sflag:s7] =	ssyncset.done $0x0  }
0x12: {  	s0 =	simm.s32 $0x1400;
	[sflag:s7] =	ssyncadd.s32 $0xFFFFEC00  }
0x13: {  	[tilespmem:s0], [sflag:$0x2] =	stream.linear.gather [hbm4b:s4+s2], $0x1400, $0x38;
	[tilespmem:$0x3C80] =	vst v63  }
0x14: {  	_ =	swait.ge [sflag:s7], $0x1400  }
0x15: {  	[sflag:s7] =	ssyncset.done $0x0  }
0x16: {  	[sflag:s7] =	ssyncadd.s32 $0xFFFFEC00  }
0x17: {  	[tilespmem:$0x3C00] =	vst v0  }
0x18: {  	[tilespmem:$0x3C10] =	vst v0  }
0x19: {  	[tilespmem:$0x3C20] =	vst v0  }
0x1a: {  	[tilespmem:$0x3C30] =	vst v0  }
0x1b: {  	[tilespmem:$0x3C40] =	vst v0  }
0x1c: {  	[tilespmem:$0x3C50] =	vst v0  }
0x1d: {  	[tilespmem:$0x3C60] =	vst v0  }
0x1e: {  	s31 =	simm.s32 $0x0;
	[tilespmem:$0x3C70] =	vst v0  }
0x1f: {  	v1 =	vld [tilespmem:s31+$0x70]  }
0x20: {  	v2 =	vld [tilespmem:s31+$0x0]  }
0x21: {  	v3 =	vld [tilespmem:s31+$0x1470]  }
0x22: {  	v4 =	vld [tilespmem:s31+$0x10]  }
0x23: {  	v5 =	vld [tilespmem:s31+$0x20]  }
0x24: {  	v7 =	vld [tilespmem:s31+$0x30]  }
0x25: {  	v10 =	vld [tilespmem:s31+$0x40];
	v1 =	vmul.u32 $0x2800, v1  }
0x26: {  	v11 =	vld [tilespmem:s31+$0x50]  }
0x27: {  	v12 =	vld [tilespmem:s31+$0x60];
	v1 =	vadd.s32 v3, v1  }
0x28: {  	[tilespmem:s31+$0x2870] =	vst v1;
	v1 =	vld [tilespmem:s31+$0x1400]  }
0x29: {  	v13 =	vld [tilespmem:s31+$0x1410]  }
0x2a: {  	v8 =	vld [tilespmem:s31+$0x1420]  }
0x2b: {  	v6 =	vld [tilespmem:s31+$0x1430];
	v2 =	vmul.u32 $0x2800, v2  }
0x2c: {  	v14 =	vmul.u32 $0x2800, v4;
	v9 =	vmul.u32 $0x2800, v5;
	v3 =	vld [tilespmem:s31+$0x1440]  }
0x2d: {  	v4 =	vld [tilespmem:s31+$0x1450];
	v7 =	vmul.u32 $0x2800, v7;
	v5 =	vmul.u32 $0x2800, v10;
	v1 =	vadd.s32 v1, v2  }
0x2e: {  	s1 =	simm.s32 $0x80;
	s0 =	simm.s32 $0x400;
	v10 =	vld [tilespmem:s31+$0x1460];
	v2 =	vmul.u32 $0x2800, v11;
	v11 =	vadd.s32 v13, v14;
	[tilespmem:s31+$0x2800] =	vst v1;
	v1 =	vmul.u32 $0x2800, v12  }
.LBB2_2:
0x2f: {  	p0 =	sne.s32 s0, $0x4E00;
	v12 =	vld [tilespmem:s1+$0x70];
	[tilespmem:s31+$0x2810] =	vst v11;
	v8 =	vadd.s32 v8, v9  }
0x30: {  	v9 =	vld [tilespmem:s1+$0x0];
	[tilespmem:s31+$0x2820] =	vst v8;
	v6 =	vadd.s32 v6, v7  }
0x31: {  	v7 =	vld [tilespmem:s1+$0x1470];
	[tilespmem:s31+$0x2830] =	vst v6;
	v3 =	vadd.s32 v3, v5  }
0x32: {  	v5 =	vld [tilespmem:s1+$0x10];
	[tilespmem:s31+$0x2840] =	vst v3;
	v2 =	vadd.s32 v4, v2  }
0x33: {  	v3 =	vld [tilespmem:s1+$0x20];
	[tilespmem:s31+$0x2850] =	vst v2;
	v1 =	vadd.s32 v10, v1  }
0x34: {  	v2 =	vld [tilespmem:s1+$0x30];
	v4 =	vmul.u32 $0x2800, v12;
	[tilespmem:s31+$0x2860] =	vst v1;
	s31 =	smov.u32 s1  }
0x35: {  	v10 =	vmul.u32 $0x2800, v9;
	v1 =	vld [tilespmem:s31+$0x40]  }
0x36: {  	v11 =	vld [tilespmem:s31+$0x50];
	v4 =	vadd.s32 v7, v4  }
0x37: {  	v12 =	vmul.u32 $0x2800, v5;
	v13 =	vld [tilespmem:s31+$0x60];
	[tilespmem:s31+$0x2870] =	vst v4  }
0x38: {  	v4 =	vld [tilespmem:s31+$0x1400];
	v9 =	vmul.u32 $0x2800, v3  }
0x39: {  	v14 =	vld [tilespmem:s31+$0x1410];
	v7 =	vmul.u32 $0x2800, v2  }
.Ltmp0:
0x3a: {  	v8 =	vld [tilespmem:s31+$0x1420];
	v5 =	vmul.u32 $0x2800, v1;
	(pc) =	sbr.rel @p0 .LBB2_2-.Ltmp0, $4  }
0x3b: {  	v6 =	vld [tilespmem:s31+$0x1430];
	v2 =	vmul.u32 $0x2800, v11  }
0x3c: {  	v3 =	vld [tilespmem:s31+$0x1440];
	v1 =	vmul.u32 $0x2800, v13  }
0x3d: {  	v10 =	vadd.s32 v4, v10;
	v4 =	vld [tilespmem:s31+$0x1450]  }
0x3e: {  	s1 =	sshra.s32 s0, $0x2;
	s0 =	sadd.s32 $0x200, s0;
	[tilespmem:s31+$0x2800] =	vst v10;
	v11 =	vadd.s32 v14, v12;
	v10 =	vld [tilespmem:s31+$0x1460]  }
0x3f: {  	v12 =	vld [tilespmem:s1+$0x70];
	[tilespmem:s31+$0x2810] =	vst v11;
	v8 =	vadd.s32 v8, v9  }
0x40: {  	v55 =	vld [tilespmem:s1+$0x0];
	[tilespmem:s31+$0x2820] =	vst v8;
	v6 =	vadd.s32 v6, v7  }
0x41: {  	v56 =	vld [tilespmem:s1+$0x1470];
	[tilespmem:s31+$0x2830] =	vst v6;
	v3 =	vadd.s32 v3, v5  }
0x42: {  	v57 =	vld [tilespmem:s1+$0x10];
	[tilespmem:s31+$0x2840] =	vst v3;
	v2 =	vadd.s32 v4, v2  }
0x43: {  	v3 =	vld [tilespmem:s1+$0x20];
	[tilespmem:s31+$0x2850] =	vst v2;
	v1 =	vadd.s32 v10, v1  }
0x44: {  	v2 =	vld [tilespmem:s1+$0x30];
	[tilespmem:s31+$0x2860] =	vst v1  }
0x45: {  	v1 =	vmul.u32 $0x2800, v12;
	v58 =	vld [tilespmem:s1+$0x40]  }
0x46: {  	v6 =	vld [tilespmem:s1+$0x50]  }
0x47: {  	v59 =	vld [tilespmem:s1+$0x60];
	v1 =	vadd.s32 v56, v1  }
0x48: {  	[tilespmem:s1+$0x2870] =	vst v1;
	v1 =	vld [tilespmem:s1+$0x1400]  }
0x49: {  	v8 =	vld [tilespmem:s1+$0x1410]  }
0x4a: {  	v60 =	vld [tilespmem:s1+$0x1420]  }
0x4b: {  	v9 =	vmul.u32 $0x2800, v55;
	v11 =	vld [tilespmem:s1+$0x1430]  }
0x4c: {  	v61 =	vld [tilespmem:s1+$0x1440];
	v5 =	vmul.u32 $0x2800, v57  }
0x4d: {  	v62 =	vld [tilespmem:s1+$0x1450];
	v3 =	vmul.u32 $0x2800, v3;
	v1 =	vadd.s32 v1, v9  }
0x4e: {  	v63 =	vld [tilespmem:s1+$0x1460];
	[tilespmem:s1+$0x2800] =	vst v1;
	v1 =	vmul.u32 $0x2800, v2;
	v2 =	vadd.s32 v8, v5  }
0x4f: {  	v4 =	vmul.u32 $0x2800, v58;
	[tilespmem:s1+$0x2810] =	vst v2;
	v2 =	vadd.s32 v60, v3  }
0x50: {  	v3 =	vmul.u32 $0x2800, v6;
	[tilespmem:s1+$0x2820] =	vst v2;
	v1 =	vadd.s32 v11, v1  }
0x51: {  	v2 =	vmul.u32 $0x2800, v59;
	[tilespmem:s1+$0x2830] =	vst v1;
	v1 =	vadd.s32 v61, v4  }
0x52: {  	[tilespmem:s1+$0x2840] =	vst v1;
	v1 =	vadd.s32 v62, v3  }
0x53: {  	[tilespmem:s1+$0x2850] =	vst v1;
	v1 =	vadd.s32 v63, v2  }
0x54: {  	s0 =	simm.s32 $0x2800;
	[tilespmem:s1+$0x2860] =	vst v1  }
0x55: {  	[hbm4b:s3+s9] =	stream.indirect.scatter [tilespmem:s11], [sflag:$0x1], $0x1, s0, s9, $0xb8;
	[tilespmem:$0x3C80] =	vst v63  }
0x56: {  	s31 =	simm.s32 $0x2880  }
0x57: {  	[hbm4b:s3+s9] =	stream.indirect.scatter [tilespmem:s11], [sflag:$0x1], $0x1, s31, s9, $0xb8;
	[tilespmem:$0x3C80] =	vst v63  }
0x58: {  	s1 =	simm.s32 $0x2900  }
0x59: {  	[hbm4b:s3+s9] =	stream.indirect.scatter [tilespmem:s11], [sflag:$0x1], $0x1, s1, s9, $0xb8;
	[tilespmem:$0x3C80] =	vst v63  }
0x5a: {  	s31 =	simm.s32 $0x2980  }
0x5b: {  	[hbm4b:s3+s9] =	stream.indirect.scatter [tilespmem:s11], [sflag:$0x1], $0x1, s31, s9, $0xb8;
	[tilespmem:$0x3C80] =	vst v63  }
0x5c: {  	s1 =	simm.s32 $0x2A00  }
0x5d: {  	[hbm4b:s3+s9] =	stream.indirect.scatter [tilespmem:s11], [sflag:$0x1], $0x1, s1, s9, $0xb8;
	[tilespmem:$0x3C80] =	vst v63  }
0x5e: {  	s31 =	simm.s32 $0x2A80  }
0x5f: {  	[hbm4b:s3+s9] =	stream.indirect.scatter [tilespmem:s11], [sflag:$0x1], $0x1, s31, s9, $0xb8;
	[tilespmem:$0x3C80] =	vst v63  }
0x60: {  	s1 =	simm.s32 $0x2B00  }
0x61: {  	[hbm4b:s3+s9] =	stream.indirect.scatter [tilespmem:s11], [sflag:$0x1], $0x1, s1, s9, $0xb8;
	[tilespmem:$0x3C80] =	vst v63  }
0x62: {  	s31 =	simm.s32 $0x2B80  }
0x63: {  	[hbm4b:s3+s9] =	stream.indirect.scatter [tilespmem:s11], [sflag:$0x1], $0x1, s31, s9, $0xb8;
	[tilespmem:$0x3C80] =	vst v63  }
0x64: {  	s1 =	simm.s32 $0x2C00  }
0x65: {  	[hbm4b:s3+s9] =	stream.indirect.scatter [tilespmem:s11], [sflag:$0x1], $0x1, s1, s9, $0xb8;
	[tilespmem:$0x3C80] =	vst v63  }
0x66: {  	s31 =	simm.s32 $0x2C80  }
0x67: {  	[hbm4b:s3+s9] =	stream.indirect.scatter [tilespmem:s11], [sflag:$0x1], $0x1, s31, s9, $0xb8;
	[tilespmem:$0x3C80] =	vst v63  }
0x68: {  	s1 =	simm.s32 $0x2D00  }
0x69: {  	[hbm4b:s3+s9] =	stream.indirect.scatter [tilespmem:s11], [sflag:$0x1], $0x1, s1, s9, $0xb8;
	[tilespmem:$0x3C80] =	vst v63  }
0x6a: {  	s31 =	simm.s32 $0x2D80  }
0x6b: {  	[hbm4b:s3+s9] =	stream.indirect.scatter [tilespmem:s11], [sflag:$0x1], $0x1, s31, s9, $0xb8;
	[tilespmem:$0x3C80] =	vst v63  }
0x6c: {  	s1 =	simm.s32 $0x2E00  }
0x6d: {  	[hbm4b:s3+s9] =	stream.indirect.scatter [tilespmem:s11], [sflag:$0x1], $0x1, s1, s9, $0xb8;
	[tilespmem:$0x3C80] =	vst v63  }
0x6e: {  	s31 =	simm.s32 $0x2E80  }
0x6f: {  	[hbm4b:s3+s9] =	stream.indirect.scatter [tilespmem:s11], [sflag:$0x1], $0x1, s31, s9, $0xb8;
	[tilespmem:$0x3C80] =	vst v63  }
0x70: {  	s1 =	simm.s32 $0x2F00  }
0x71: {  	[hbm4b:s3+s9] =	stream.indirect.scatter [tilespmem:s11], [sflag:$0x1], $0x1, s1, s9, $0xb8;
	[tilespmem:$0x3C80] =	vst v63  }
0x72: {  	s31 =	simm.s32 $0x2F80  }
0x73: {  	[hbm4b:s3+s9] =	stream.indirect.scatter [tilespmem:s11], [sflag:$0x1], $0x1, s31, s9, $0xb8;
	[tilespmem:$0x3C80] =	vst v63  }
0x74: {  	s1 =	simm.s32 $0x3000  }
0x75: {  	[hbm4b:s3+s9] =	stream.indirect.scatter [tilespmem:s11], [sflag:$0x1], $0x1, s1, s9, $0xb8;
	[tilespmem:$0x3C80] =	vst v63  }
0x76: {  	s31 =	simm.s32 $0x3080  }
0x77: {  	[hbm4b:s3+s9] =	stream.indirect.scatter [tilespmem:s11], [sflag:$0x1], $0x1, s31, s9, $0xb8;
	[tilespmem:$0x3C80] =	vst v63  }
0x78: {  	s1 =	simm.s32 $0x3100  }
0x79: {  	[hbm4b:s3+s9] =	stream.indirect.scatter [tilespmem:s11], [sflag:$0x1], $0x1, s1, s9, $0xb8;
	[tilespmem:$0x3C80] =	vst v63  }
0x7a: {  	s31 =	simm.s32 $0x3180  }
0x7b: {  	[hbm4b:s3+s9] =	stream.indirect.scatter [tilespmem:s11], [sflag:$0x1], $0x1, s31, s9, $0xb8;
	[tilespmem:$0x3C80] =	vst v63  }
0x7c: {  	s1 =	simm.s32 $0x3200  }
0x7d: {  	[hbm4b:s3+s9] =	stream.indirect.scatter [tilespmem:s11], [sflag:$0x1], $0x1, s1, s9, $0xb8;
	[tilespmem:$0x3C80] =	vst v63  }
0x7e: {  	s31 =	simm.s32 $0x3280  }
0x7f: {  	[hbm4b:s3+s9] =	stream.indirect.scatter [tilespmem:s11], [sflag:$0x1], $0x1, s31, s9, $0xb8;
	[tilespmem:$0x3C80] =	vst v63  }
0x80: {  	_ = 	snop  }
0x81: {  	[hbm4b:s3+s9] =	stream.indirect.scatter [tilespmem:s11], [sflag:$0x1], $0x1, s8, s9, $0xb8;
	[tilespmem:$0x3C80] =	vst v63  }
0x82: {  	_ = 	snop  }
0x83: {  	[hbm4b:s3+s9] =	stream.indirect.scatter [tilespmem:s11], [sflag:$0x1], $0x1, s10, s9, $0xb8;
	[tilespmem:$0x3C80] =	vst v63  }
0x84: {  	_ = 	snop  }
0x85: {  	[hbm4b:s3+s9] =	stream.indirect.scatter [tilespmem:s11], [sflag:$0x1], $0x1, s12, s9, $0xb8;
	[tilespmem:$0x3C80] =	vst v63  }
0x86: {  	_ = 	snop  }
0x87: {  	[hbm4b:s3+s9] =	stream.indirect.scatter [tilespmem:s11], [sflag:$0x1], $0x1, s13, s9, $0xb8;
	[tilespmem:$0x3C80] =	vst v63  }
0x88: {  	_ = 	snop  }
0x89: {  	[hbm4b:s3+s9] =	stream.indirect.scatter [tilespmem:s11], [sflag:$0x1], $0x1, s14, s9, $0xb8;
	[tilespmem:$0x3C80] =	vst v63  }
0x8a: {  	_ = 	snop  }
0x8b: {  	[hbm4b:s3+s9] =	stream.indirect.scatter [tilespmem:s11], [sflag:$0x1], $0x1, s15, s9, $0xb8;
	[tilespmem:$0x3C80] =	vst v63  }
0x8c: {  	_ = 	snop  }
0x8d: {  	[hbm4b:s3+s9] =	stream.indirect.scatter [tilespmem:s11], [sflag:$0x1], $0x1, s16, s9, $0xb8;
	[tilespmem:$0x3C80] =	vst v63  }
0x8e: {  	_ = 	snop  }
0x8f: {  	[hbm4b:s3+s9] =	stream.indirect.scatter [tilespmem:s11], [sflag:$0x1], $0x1, s17, s9, $0xb8;
	[tilespmem:$0x3C80] =	vst v63  }
0x90: {  	_ = 	snop  }
0x91: {  	[hbm4b:s3+s9] =	stream.indirect.scatter [tilespmem:s11], [sflag:$0x1], $0x1, s18, s9, $0xb8;
	[tilespmem:$0x3C80] =	vst v63  }
0x92: {  	_ = 	snop  }
0x93: {  	[hbm4b:s3+s9] =	stream.indirect.scatter [tilespmem:s11], [sflag:$0x1], $0x1, s19, s9, $0xb8;
	[tilespmem:$0x3C80] =	vst v63  }
0x94: {  	_ = 	snop  }
0x95: {  	[hbm4b:s3+s9] =	stream.indirect.scatter [tilespmem:s11], [sflag:$0x1], $0x1, s20, s9, $0xb8;
	[tilespmem:$0x3C80] =	vst v63  }
0x96: {  	_ = 	snop  }
0x97: {  	[hbm4b:s3+s9] =	stream.indirect.scatter [tilespmem:s11], [sflag:$0x1], $0x1, s21, s9, $0xb8;
	[tilespmem:$0x3C80] =	vst v63  }
0x98: {  	_ = 	snop  }
0x99: {  	[hbm4b:s3+s9] =	stream.indirect.scatter [tilespmem:s11], [sflag:$0x1], $0x1, s22, s9, $0xb8;
	[tilespmem:$0x3C80] =	vst v63  }
0x9a: {  	_ = 	snop  }
0x9b: {  	[hbm4b:s3+s9] =	stream.indirect.scatter [tilespmem:s11], [sflag:$0x1], $0x1, s23, s9, $0xb8;
	[tilespmem:$0x3C80] =	vst v63  }
0x9c: {  	_ = 	snop  }
0x9d: {  	[hbm4b:s3+s9] =	stream.indirect.scatter [tilespmem:s11], [sflag:$0x1], $0x1, s24, s9, $0xb8;
	[tilespmem:$0x3C80] =	vst v63  }
0x9e: {  	_ = 	snop  }
0x9f: {  	[hbm4b:s3+s9] =	stream.indirect.scatter [tilespmem:s11], [sflag:$0x1], $0x1, s25, s9, $0xb8;
	[tilespmem:$0x3C80] =	vst v63  }
0xa0: {  	_ = 	snop  }
0xa1: {  	[hbm4b:s3+s9] =	stream.indirect.scatter [tilespmem:s11], [sflag:$0x1], $0x1, s26, s9, $0xb8;
	[tilespmem:$0x3C80] =	vst v63  }
0xa2: {  	_ = 	snop  }
0xa3: {  	[hbm4b:s3+s9] =	stream.indirect.scatter [tilespmem:s11], [sflag:$0x1], $0x1, s28, s9, $0xb8;
	[tilespmem:$0x3C80] =	vst v63  }
0xa4: {  	_ =	swait.ge [sflag:s29], $0x80  }
0xa5: {  	s0 =	simm.s32 $0x27;
	[sflag:s29] =	ssyncset.done $0x0  }
.LBB2_4:
0xa6: {  	p0 =	sne.s32 s0, $0x1;
	s0 =	sadd.s32 $0xFFFFFFFF, s0;
	[sflag:s29] =	ssyncadd.s32 $0xFFFFFF80  }
.Ltmp1:
0xa7: {  	(pc) =	sbr.rel @p0 .LBB2_4-.Ltmp1, $3  }
0xa8: {  	_ =	sdelay $0x1  }
0xa9: {  	_ =	swait.ge [sflag:s29], $0x80  }
0xaa: {  	[sflag:s29] =	ssyncset.done $0x0  }
0xab: {  	s30 =	sadd.s32 $0x1, s30  }
0xac: {  	p0 =	sne.s32 s30, s6  }
.Ltmp2:
0xad: {  	_ = 	snop;
	(pc) =	sbr.rel @p0 .LBB2_1-.Ltmp2, $2  }
0xae: {  	_ =	sdelay $0x2  }
0xaf: {  	[sflag:s29] =	ssyncadd.s32 $0xFFFFFF80  }
0xb0: {  	_ =	sfence.sel $0x180000  }
0xb1: {  	[bflag:$0x0] =	sbarrier.arrive $0xFFFF  }
0xb2: {  	_ =	strace $0x90000047  }
0xb3: {  	s0 =	stileid.u32;
	[bflag:$0x2] =	sbarrier.arrive $0xFFFF  }
0xb4: {  	p0 =	sne.s32 s0, $0x0;
	s0 =	rddreg [dreg:$0x1]  }
0xb5: {  	s0 =	sadd.s32 @!p0 $0x100000, s0  }
0xb6: {  	[sflag:s0] =	ssyncadd.tile.s32 @!p0 $0x1;
	_ =	shalt  }
.Lfunc_end2:
_tile_overlayer_lowered:
.L_overlay_start_2:
0xb7: {  	(tag) =	ssettag $0x2  }
0xb8: {  	s0 =	rddreg [dreg:$0x0];
	s2 =	stileid.u32  }
0xb9: {  	s1 =	rddreg [dreg:$0x1];
	p0 =	sne.s32 s2, $0x0  }
0xba: {  	s3 =	rddreg [dreg:$0x2];
	[bflag:$0x3] =	sbarrier.arrive $0xFFFF;
	s2 =	simm.s32 @!p0 $0x1C02  }
0xbb: {  	[timem:s3], [sflag:s2] =	dma.local @!p0 [hbm:s0], s1  }
0xbc: {  	s0 =	simm.s32 @!p0 $0x2  }
0xbd: {  	_ =	swait.ge @!p0 [sflag:s0], s1  }
0xbe: {  	s1 =	ssub.s32 @!p0 $0x0, s1;
	[sflag:s0] =	ssyncset.done @!p0 $0x0  }
0xbf: {  	[sflag:s0] =	ssyncadd.s32 @!p0 s1  }
0xc0: {  	[bflag:$0x3] =	sbarrier.arrive $0xFFFF  }
0xc1: {  	_ =	shalt  }

// kernel: kernel.8.cloned.1.call-start
scs
__scs_entry_jumppad:
0x0: {  	(pc) =	sbr.rel $0x88, $3  }
0x1: {  	(tag) =	ssettag $0x0;
	lr =	simm.s32 $0x1  }
0x2: {  	[smem:$0x3F9F] =	sst lr;
	_ =	strace $0xD0000000  }
0x3: {  	_ = 	snop  }
0x4: {  	_ = 	snop  }
0x5: {  	_ = 	snop  }
0x6: {  	_ = 	snop  }
0x7: {  	_ = 	snop  }
__scs_overlays_trampoline_lowered:
0x8: {  	[smem:$0x3FAE] =	sst s0  }
0x9: {  	[smem:$0x3FAF] =	sst s1  }
0xa: {  	[smem:$0x3FB0] =	sst s2  }
0xb: {  	[smem:$0x3FB1] =	sst s3  }
0xc: {  	[smem:$0x3FB2] =	sst s4  }
0xd: {  	[smem:$0x3FB3] =	sst s5  }
0xe: {  	[smem:$0x3FB4] =	sst s6  }
0xf: {  	[smem:$0x3FB5] =	sst s7  }
0x10: {  	[smem:$0x3FB6] =	sst s8  }
0x11: {  	[smem:$0x3FB7] =	sst s9;
	s0 =	simm.s32 @!p0 $0x0  }
0x12: {  	s1 =	sld [smem:$0x3F9D];
	s0 =	simm.s32 @p0 $0x1  }
0x13: {  	[smem:$0x3FB8] =	sst s0;
	s0 =	simm.s32 @!p1 $0x0  }
0x14: {  	s2 =	sld [smem:$0x3F9C];
	s0 =	simm.s32 @p1 $0x1  }
0x15: {  	[smem:$0x3FB9] =	sst s0;
	s0 =	simm.s32 @!p2 $0x0  }
0x16: {  	s3 =	sld [smem:$0x3FDB];
	s0 =	simm.s32 @p2 $0x1  }
0x17: {  	s4 =	simm.s32 $0x1BF5;
	[smem:$0x3FBB] =	sst s0  }
0x18: {  	s0 =	sld [smem:$0x3F9E];
	_ =	swait.ge [sflag:s4], $0x0  }
0x19: {  	s7 =	sld [smem:$0x3F9F]  }
0x1a: {  	s8 =	sadd.s32 $0xFFFFE003, lr  }
0x1b: {  	s9 =	sadd.s32 $0xFFFFFEF7, lr;
	s5 =	simm.s32 $0xFFFFFFFF;
	p2 =	slt.u32 s8, $0xFFFFF086  }
0x1c: {  	p1 =	slt.u32 s9, $0xF7A;
	s5 =	simm.s32 @!p2 $0x0  }
0x1d: {  	s5 =	simm.s32 @p1 $0x1;
	p0 =	seq.s32 s7, s2  }
0x1e: {  	s7 =	smul.u32 @!p0 $0xF7A, s2;
	p2 =	seq.s32 @!p0 s5, $0x0  }
0x1f: {  	s9 =	smul.u32 $0xF7A, s1;
	s8 =	simm.s32 @!p0 $0x1BF5;
	p2 =	por !p2, p0  }
0x20: {  	[sflag:s8] =	ssyncset.s32 @!p0 $0xFFFFF086;
	s6 =	sadd.s32 @!p0 s3, s7;
	s7 =	simm.s32 @!p0 $0x108  }
0x21: {  	s3 =	sadd.s32 s3, s9;
	s6 =	sadd.s32 @!p0 $0x88, s6;
	s7 =	simm.s32 @p2 $0x1082  }
0x22: {  	[simem:s7], [sflag:s8] =	dma.local @!p0 [hbm:s6], $0xF7A  }
0x23: {  	s9 =	sor.u32 $0xD0000000, s2;
	s6 =	simm.s32 $0x108;
	_ =	swait.ge @!p0 [sflag:s8], $0x0  }
0x24: {  	s3 =	sadd.s32 $0x88, s3;
	s6 =	simm.s32 @!p1 $0x1082;
	[sflag:s4] =	ssyncset.s32 $0xFFFFF086  }
0x25: {  	[simem:s6], [sflag:s4] =	dma.local [hbm:s3], $0xF7A  }
0x26: {  	[smem:$0x3F9F] =	sst s1;
	(tag) =	ssettag s2;
	_ =	strace s9  }
0x27: {  	s1 =	sld [smem:$0x3FAF]  }
0x28: {  	s2 =	sld [smem:$0x3FB0]  }
0x29: {  	s4 =	sld [smem:$0x3FB2]  }
0x2a: {  	p0 =	seq.s32 s5, $0x0;
	s5 =	sld [smem:$0x3FB3]  }
0x2b: {  	s6 =	sld [smem:$0x3FB4]  }
0x2c: {  	s7 =	sld [smem:$0x3FB5]  }
0x2d: {  	s3 =	simm.s32 $0x108;
	s8 =	sld [smem:$0x3FB6]  }
0x2e: {  	s3 =	simm.s32 @!p0 $0x1082;
	s9 =	sld [smem:$0x3FB7]  }
0x2f: {  	lr =	sadd.s32 s0, s3;
	s0 =	sld [smem:$0x3FAE]  }
0x30: {  	s3 =	sld [smem:$0x3FB1]  }
0x31: {  	[smem:$0x3FBA] =	sst s10  }
0x32: {  	s10 =	sld [smem:$0x3FB8];
	_ =	sdelay $0x3  }
0x33: {  	p0 =	seq.s32 s10, $0x1;
	s10 =	sld [smem:$0x3FBA];
	_ =	sdelay $0x3  }
0x34: {  	[smem:$0x3FBA] =	sst s10  }
0x35: {  	s10 =	sld [smem:$0x3FB9];
	_ =	sdelay $0x3  }
0x36: {  	p1 =	seq.s32 s10, $0x1;
	s10 =	sld [smem:$0x3FBA];
	_ =	sdelay $0x3  }
0x37: {  	[smem:$0x3FBA] =	sst s10  }
0x38: {  	s10 =	sld [smem:$0x3FBB]  }
0x39: {  	_ = 	snop;
	(pc) =	sbr.ind lr, $3  }
0x3a: {  	_ = 	snop  }
0x3b: {  	_ = 	snop  }
0x3c: {  	p2 =	seq.s32 s10, $0x1;
	s10 =	sld [smem:$0x3FBA]  }
0x3d: {  	_ =	shalt  }
0x3e: {  	_ =	shalt  }
0x3f: {  	_ =	shalt  }
0x40: {  	_ =	shalt  }
0x41: {  	_ =	shalt  }
0x42: {  	_ =	shalt  }
0x43: {  	_ =	shalt  }
0x44: {  	_ =	shalt  }
0x45: {  	_ =	shalt  }
0x46: {  	_ =	shalt  }
0x47: {  	_ =	shalt  }
0x48: {  	_ =	shalt  }
0x49: {  	_ =	shalt  }
0x4a: {  	_ =	shalt  }
0x4b: {  	_ =	shalt  }
0x4c: {  	_ =	shalt  }
0x4d: {  	_ =	shalt  }
0x4e: {  	_ =	shalt  }
0x4f: {  	_ =	shalt  }
0x50: {  	_ =	shalt  }
0x51: {  	_ =	shalt  }
0x52: {  	_ =	shalt  }
0x53: {  	_ =	shalt  }
0x54: {  	_ =	shalt  }
0x55: {  	_ =	shalt  }
0x56: {  	_ =	shalt  }
0x57: {  	_ =	shalt  }
0x58: {  	_ =	shalt  }
0x59: {  	_ =	shalt  }
0x5a: {  	_ =	shalt  }
0x5b: {  	_ =	shalt  }
0x5c: {  	_ =	shalt  }
0x5d: {  	_ =	shalt  }
0x5e: {  	_ =	shalt  }
0x5f: {  	_ =	shalt  }
0x60: {  	_ =	shalt  }
0x61: {  	_ =	shalt  }
0x62: {  	_ =	shalt  }
0x63: {  	_ =	shalt  }
0x64: {  	_ =	shalt  }
0x65: {  	_ =	shalt  }
0x66: {  	_ =	shalt  }
0x67: {  	_ =	shalt  }
0x68: {  	_ =	shalt  }
0x69: {  	_ =	shalt  }
0x6a: {  	_ =	shalt  }
0x6b: {  	_ =	shalt  }
0x6c: {  	_ =	shalt  }
0x6d: {  	_ =	shalt  }
0x6e: {  	_ =	shalt  }
0x6f: {  	_ =	shalt  }
0x70: {  	_ =	shalt  }
0x71: {  	_ =	shalt  }
0x72: {  	_ =	shalt  }
0x73: {  	_ =	shalt  }
0x74: {  	_ =	shalt  }
0x75: {  	_ =	shalt  }
0x76: {  	_ =	shalt  }
0x77: {  	_ =	shalt  }
0x78: {  	_ =	shalt  }
0x79: {  	_ =	shalt  }
0x7a: {  	_ =	shalt  }
0x7b: {  	_ =	shalt  }
0x7c: {  	_ =	shalt  }
0x7d: {  	_ =	shalt  }
0x7e: {  	_ =	shalt  }
0x7f: {  	_ =	shalt  }
0x80: {  	_ =	shalt  }
0x81: {  	_ =	shalt  }
0x82: {  	_ =	shalt  }
0x83: {  	_ =	shalt  }
0x84: {  	_ =	shalt  }
0x85: {  	_ =	shalt  }
0x86: {  	_ =	shalt  }
0x87: {  	_ =	shalt  }
.Lfunc_end0:
.L_simem_size_0:
called_computation.1_lowered:
.L_overlay_start_0:
0x88: {  	s2 =	sld [smem:$0x3FD9]  }
0x89: {  	s3 =	sld [smem:$0x3FFE];
	_ =	sdelay $0x1  }
0x8a: {  	s1 =	srdreg.scid  }
0x8b: {  	s0 =	sand.u32 $0x1, s1  }
0x8c: {  	s17 =	sshll.u32 s0, $0xA;
	s2 =	sadd.s32 s3, s2  }
0x8d: {  	s2 =	sadd.s32 s2, s17  }
0x8e: {  	[smem:$0x3FC6] =	sst s2  }
0x8f: {  	_ = 	snop  }
0x90: {  	s2 =	sld [smem:$0x3FD0];
	(tm) =	ssettm $0x1  }
0x91: {  	s18 =	sld [smem:$0x3FFB];
	_ =	sdelay $0x3  }
0x92: {  	_ =	strace s18  }
0x93: {  	s3 =	sld [smem:$0x3FFC];
	_ =	sdelay $0x3  }
0x94: {  	_ =	strace s3  }
0x95: {  	s3 =	sld [smem:$0x3FFD];
	_ =	sdelay $0x3  }
0x96: {  	_ =	strace s3  }
0x97: {  	_ =	strace $0x8FFFFFFF  }
0x98: {  	s19 =	sld [smem:$0x3FDB];
	_ =	sdelay $0x1  }
0x99: {  	s4 =	simm.s32 $_scs_section_size  }
0x9a: {  	s5 =	simm.s32 $_size__tile_overlayer_lowered;
	s6 =	simm.s32 $_tile_overlayer_lowered  }
0x9b: {  	s22 =	simm.s32 $0x1BFF;
	s21 =	sshll.u32 s6, $0x1;
	s3 =	sadd.s32 s4, s19  }
0x9c: {  	s7 =	simm.s32 $0x0;
	s20 =	sshll.u32 s5, $0x1;
	s5 =	sadd.s32 s21, s3  }
0x9d: {  	[timem:s7], [sflag:s22] =	dma.local [hbm:s5], s20  }
0x9e: {  	_ =	swait.ge [sflag:s22], s20  }
0x9f: {  	s4 =	ssub.s32 $0x0, s20;
	[sflag:s22] =	ssyncset.done $0x0  }
0xa0: {  	[sflag:s22] =	ssyncadd.s32 s4;
	_ =	sdelay $0x1  }
0xa1: {  	s23 =	simm.s32 $0x1B8B  }
0xa2: {  	_ =	swait.ge [sflag:s23], $0x1  }
0xa3: {  	[sflag:s23] =	ssyncset.done $0x0  }
0xa4: {  	s25 =	simm.s32 $0x1B8E;
	s24 =	sld [smem:$0x3FFE];
	[sflag:s23] =	ssyncadd.s32 $0xFFFFFFFF  }
0xa5: {  	s26 =	simm.s32 $execute0_lowered;
	[smem:$0x3FD2] =	sst s25  }
0xa6: {  	s5 =	sshll.u32 s26, $0x1;
	_ =	strace $0x80000049;
	[dreg:$0x1] =	wrdreg $0xFFFFFFFF  }
0xa7: {  	s28 =	simm.s32 $_size_execute0_lowered;
	s3 =	sadd.s32 s3, s5;
	[dreg:$0x0] =	wrdreg $0x0  }
0xa8: {  	s5 =	sshll.u32 s28, $0x1;
	[dreg:$0x2] =	wrdreg s3  }
0xa9: {  	[dreg:$0x3] =	wrdreg s5  }
0xaa: {  	[dreg:$0x4] =	wrdreg $0xC0  }
0xab: {  	_ =	task [dreg:s7], $0x5FFFF  }
0xac: {  	[dreg:$0x1] =	wrdreg $0xFFFFFFFF  }
0xad: {  	[dreg:$0x0] =	wrdreg $0x60  }
0xae: {  	[dreg:$0x2] =	wrdreg s24  }
0xaf: {  	[dreg:$0x3] =	wrdreg s2  }
0xb0: {  	[dreg:$0x4] =	wrdreg $0x9  }
0xb1: {  	_ =	task.clear_ibuf [dreg:s7], $0x5FFFF;
	_ =	strace $0x90000049  }
0xb2: {  	s29 =	simm.s32 $0x9;
	_ =	strace $0x8000004B  }
0xb3: {  	_ =	swait.ge [sflag:s29], $0x1  }
0xb4: {  	[sflag:s29] =	ssyncadd.s32 $0xFFFFFFFF  }
0xb5: {  	_ =	strace $0x9000004B  }
0xb6: {  	_ =	sfence  }
0xb7: {  	s30 =	sld [smem:$0x0];
	_ =	sdelay $0x2  }
0xb8: {  	s31 =	sshll.u32 s1, $0xD;
	s1 =	sshrl.u32 s1, $0x2  }
0xb9: {  	s3 =	sand.u32 $0x4000, s31;
	s1 =	sadd.s32 s1, s30  }
0xba: {  	s0 =	sor.u32 s3, s0;
	s1 =	sshll.u32 s1, $0x11  }
0xbb: {  	s0 =	sor.u32 s1, s0  }
0xbc: {  	s0 =	sadd.s32 $0x8F2B, s0  }
0xbd: {  	[sflag:s0] =	ssyncadd.remote.s32 $0x1  }
0xbe: {  	_ =	sfence.sel $0xFFFF  }
0xbf: {  	[dreg:$0x0] =	wrdreg $0xFFFFFFFF;
	(pc) =	sbr.abs _section_cstart, $3  }
0xc0: {  	[dreg:$0x1] =	wrdreg $0xFFFFFFFF  }
0xc1: {  	_ =	task.clear_ibuf [dreg:s7], $0x2FFFF;
	_ =	strace $0x9FFFFFFF  }
0xc2: {  	(tm) =	ssettm $0x7FFFFFFF  }
0xc3: {  	_ =	shalt  }
tec
execute0_lowered:
.L_overlay_start_1:
0x0: {  	(tag) =	ssettag $0x1  }
0x1: {  	s0 =	srdreg.scid  }
0x2: {  	s2 =	stileid.u32;
	s1 =	rddreg [dreg:$0x0]  }
0x3: {  	s5 =	rddreg [dreg:$0x1];
	s9 =	simm.s32 $0x80;
	s11 =	simm.s32 $0x3C00  }
0x4: {  	s8 =	simm.s32 $0x3300;
	s10 =	simm.s32 $0x3380;
	s12 =	simm.s32 $0x3400  }
0x5: {  	s13 =	simm.s32 $0x3480;
	s14 =	simm.s32 $0x3500;
	s15 =	simm.s32 $0x3580  }
0x6: {  	s16 =	simm.s32 $0x3600;
	s17 =	simm.s32 $0x3680;
	s18 =	simm.s32 $0x3700  }
0x7: {  	s19 =	simm.s32 $0x3780;
	s20 =	simm.s32 $0x3800;
	s21 =	simm.s32 $0x3880  }
0x8: {  	s22 =	simm.s32 $0x3900;
	s23 =	simm.s32 $0x3980;
	s24 =	simm.s32 $0x3A00  }
0x9: {  	s25 =	simm.s32 $0x3A80;
	s26 =	simm.s32 $0x3B00;
	s28 =	simm.s32 $0x3B80  }
0xa: {  	s29 =	simm.s32 $0x1;
	s0 =	sand.u32 $0x1, s0;
	s2 =	sshll.u32 s2, $0x1  }
0xb: {  	s30 =	simm.s32 $0x0;
	s3 =	sor.u32 s0, s2;
	s2 =	simm.s32 $0x0  }
0xc: {  	s0 =	ssub.s32 $0x2, s0;
	s6 =	smul.u32 $0x280, s3;
	[smem:$0x7FF] =	sst s2  }
0xd: {  	s7 =	sshrl.u32 s0, $0x1;
	s3 =	sadd.s32 $0xA000, s1;
	_ =	strace $0x8000004A  }
0xe: {  	s0 =	ssub.s32 s0, s7;
	s7 =	simm.s32 $0x2;
	s4 =	sadd.s32 s6, s1  }
0xf: {  	v0 =	vimm.f32 $-1.000000000e+00;
	s5 =	sadd.s32 s5, s6;
	s6 =	smax.u32 s0, $0x1;
	s4 =	sadd.s32 $0xC3F000, s4  }
.LBB2_1:
0x10: {  	[tilespmem:s2], [sflag:$0x2] =	stream.linear.gather [hbm4b:s4+s2], $0x1400, $0x38;
	[tilespmem:$0x3C80] =	vst v63  }
0x11: {  	_ =	swait.ge [sflag:s7], $0x1400  }
0x12: {  	[sflag:s7] =	ssyncset.done $0x0  }
0x13: {  	s0 =	simm.s32 $0x1400;
	[sflag:s7] =	ssyncadd.s32 $0xFFFFEC00  }
0x14: {  	[tilespmem:s0], [sflag:$0x2] =	stream.linear.gather [hbm4b:s5+s2], $0x1400, $0x38;
	[tilespmem:$0x3C80] =	vst v63  }
0x15: {  	_ =	swait.ge [sflag:s7], $0x1400  }
0x16: {  	[sflag:s7] =	ssyncset.done $0x0  }
0x17: {  	[sflag:s7] =	ssyncadd.s32 $0xFFFFEC00  }
0x18: {  	[tilespmem:$0x3C00] =	vst v0  }
0x19: {  	[tilespmem:$0x3C10] =	vst v0  }
0x1a: {  	[tilespmem:$0x3C20] =	vst v0  }
0x1b: {  	[tilespmem:$0x3C30] =	vst v0  }
0x1c: {  	[tilespmem:$0x3C40] =	vst v0  }
0x1d: {  	[tilespmem:$0x3C50] =	vst v0  }
0x1e: {  	[tilespmem:$0x3C60] =	vst v0  }
0x1f: {  	s31 =	simm.s32 $0x0;
	[tilespmem:$0x3C70] =	vst v0  }
0x20: {  	v1 =	vld [tilespmem:s31+$0x70]  }
0x21: {  	v2 =	vld [tilespmem:s31+$0x0]  }
0x22: {  	v3 =	vld [tilespmem:s31+$0x1470]  }
0x23: {  	v4 =	vld [tilespmem:s31+$0x10]  }
0x24: {  	v5 =	vld [tilespmem:s31+$0x20]  }
0x25: {  	v7 =	vld [tilespmem:s31+$0x30]  }
0x26: {  	v10 =	vld [tilespmem:s31+$0x40];
	v1 =	vmul.u32 $0x2800, v1  }
0x27: {  	v11 =	vld [tilespmem:s31+$0x50]  }
0x28: {  	v12 =	vld [tilespmem:s31+$0x60];
	v1 =	vadd.s32 v3, v1  }
0x29: {  	[tilespmem:s31+$0x2870] =	vst v1;
	v1 =	vld [tilespmem:s31+$0x1400]  }
0x2a: {  	v13 =	vld [tilespmem:s31+$0x1410]  }
0x2b: {  	v8 =	vld [tilespmem:s31+$0x1420]  }
0x2c: {  	v6 =	vld [tilespmem:s31+$0x1430];
	v2 =	vmul.u32 $0x2800, v2  }
0x2d: {  	v14 =	vmul.u32 $0x2800, v4;
	v9 =	vmul.u32 $0x2800, v5;
	v3 =	vld [tilespmem:s31+$0x1440]  }
0x2e: {  	v4 =	vld [tilespmem:s31+$0x1450];
	v7 =	vmul.u32 $0x2800, v7;
	v5 =	vmul.u32 $0x2800, v10;
	v1 =	vadd.s32 v1, v2  }
0x2f: {  	s1 =	simm.s32 $0x80;
	s0 =	simm.s32 $0x400;
	v10 =	vld [tilespmem:s31+$0x1460];
	v2 =	vmul.u32 $0x2800, v11;
	v11 =	vadd.s32 v13, v14;
	[tilespmem:s31+$0x2800] =	vst v1;
	v1 =	vmul.u32 $0x2800, v12  }
.LBB2_2:
0x30: {  	p0 =	sne.s32 s0, $0x4E00;
	v12 =	vld [tilespmem:s1+$0x70];
	[tilespmem:s31+$0x2810] =	vst v11;
	v8 =	vadd.s32 v8, v9  }
0x31: {  	v9 =	vld [tilespmem:s1+$0x0];
	[tilespmem:s31+$0x2820] =	vst v8;
	v6 =	vadd.s32 v6, v7  }
0x32: {  	v7 =	vld [tilespmem:s1+$0x1470];
	[tilespmem:s31+$0x2830] =	vst v6;
	v3 =	vadd.s32 v3, v5  }
0x33: {  	v5 =	vld [tilespmem:s1+$0x10];
	[tilespmem:s31+$0x2840] =	vst v3;
	v2 =	vadd.s32 v4, v2  }
0x34: {  	v3 =	vld [tilespmem:s1+$0x20];
	[tilespmem:s31+$0x2850] =	vst v2;
	v1 =	vadd.s32 v10, v1  }
0x35: {  	v2 =	vld [tilespmem:s1+$0x30];
	v4 =	vmul.u32 $0x2800, v12;
	[tilespmem:s31+$0x2860] =	vst v1;
	s31 =	smov.u32 s1  }
0x36: {  	v10 =	vmul.u32 $0x2800, v9;
	v1 =	vld [tilespmem:s31+$0x40]  }
0x37: {  	v11 =	vld [tilespmem:s31+$0x50];
	v4 =	vadd.s32 v7, v4  }
0x38: {  	v12 =	vmul.u32 $0x2800, v5;
	v13 =	vld [tilespmem:s31+$0x60];
	[tilespmem:s31+$0x2870] =	vst v4  }
0x39: {  	v4 =	vld [tilespmem:s31+$0x1400];
	v9 =	vmul.u32 $0x2800, v3  }
0x3a: {  	v14 =	vld [tilespmem:s31+$0x1410];
	v7 =	vmul.u32 $0x2800, v2  }
.Ltmp0:
0x3b: {  	v8 =	vld [tilespmem:s31+$0x1420];
	v5 =	vmul.u32 $0x2800, v1;
	(pc) =	sbr.rel @p0 .LBB2_2-.Ltmp0, $4  }
0x3c: {  	v6 =	vld [tilespmem:s31+$0x1430];
	v2 =	vmul.u32 $0x2800, v11  }
0x3d: {  	v3 =	vld [tilespmem:s31+$0x1440];
	v1 =	vmul.u32 $0x2800, v13  }
0x3e: {  	v10 =	vadd.s32 v4, v10;
	v4 =	vld [tilespmem:s31+$0x1450]  }
0x3f: {  	s1 =	sshra.s32 s0, $0x2;
	s0 =	sadd.s32 $0x200, s0;
	[tilespmem:s31+$0x2800] =	vst v10;
	v11 =	vadd.s32 v14, v12;
	v10 =	vld [tilespmem:s31+$0x1460]  }
0x40: {  	v12 =	vld [tilespmem:s1+$0x70];
	[tilespmem:s31+$0x2810] =	vst v11;
	v8 =	vadd.s32 v8, v9  }
0x41: {  	v55 =	vld [tilespmem:s1+$0x0];
	[tilespmem:s31+$0x2820] =	vst v8;
	v6 =	vadd.s32 v6, v7  }
0x42: {  	v56 =	vld [tilespmem:s1+$0x1470];
	[tilespmem:s31+$0x2830] =	vst v6;
	v3 =	vadd.s32 v3, v5  }
0x43: {  	v57 =	vld [tilespmem:s1+$0x10];
	[tilespmem:s31+$0x2840] =	vst v3;
	v2 =	vadd.s32 v4, v2  }
0x44: {  	v3 =	vld [tilespmem:s1+$0x20];
	[tilespmem:s31+$0x2850] =	vst v2;
	v1 =	vadd.s32 v10, v1  }
0x45: {  	v2 =	vld [tilespmem:s1+$0x30];
	[tilespmem:s31+$0x2860] =	vst v1  }
0x46: {  	v1 =	vmul.u32 $0x2800, v12;
	v58 =	vld [tilespmem:s1+$0x40]  }
0x47: {  	v6 =	vld [tilespmem:s1+$0x50]  }
0x48: {  	v59 =	vld [tilespmem:s1+$0x60];
	v1 =	vadd.s32 v56, v1  }
0x49: {  	[tilespmem:s1+$0x2870] =	vst v1;
	v1 =	vld [tilespmem:s1+$0x1400]  }
0x4a: {  	v8 =	vld [tilespmem:s1+$0x1410]  }
0x4b: {  	v60 =	vld [tilespmem:s1+$0x1420]  }
0x4c: {  	v9 =	vmul.u32 $0x2800, v55;
	v11 =	vld [tilespmem:s1+$0x1430]  }
0x4d: {  	v61 =	vld [tilespmem:s1+$0x1440];
	v5 =	vmul.u32 $0x2800, v57  }
0x4e: {  	v62 =	vld [tilespmem:s1+$0x1450];
	v3 =	vmul.u32 $0x2800, v3;
	v1 =	vadd.s32 v1, v9  }
0x4f: {  	v63 =	vld [tilespmem:s1+$0x1460];
	[tilespmem:s1+$0x2800] =	vst v1;
	v1 =	vmul.u32 $0x2800, v2;
	v2 =	vadd.s32 v8, v5  }
0x50: {  	v4 =	vmul.u32 $0x2800, v58;
	[tilespmem:s1+$0x2810] =	vst v2;
	v2 =	vadd.s32 v60, v3  }
0x51: {  	v3 =	vmul.u32 $0x2800, v6;
	[tilespmem:s1+$0x2820] =	vst v2;
	v1 =	vadd.s32 v11, v1  }
0x52: {  	v2 =	vmul.u32 $0x2800, v59;
	[tilespmem:s1+$0x2830] =	vst v1;
	v1 =	vadd.s32 v61, v4  }
0x53: {  	[tilespmem:s1+$0x2840] =	vst v1;
	v1 =	vadd.s32 v62, v3  }
0x54: {  	[tilespmem:s1+$0x2850] =	vst v1;
	v1 =	vadd.s32 v63, v2  }
0x55: {  	s0 =	simm.s32 $0x2800;
	[tilespmem:s1+$0x2860] =	vst v1  }
0x56: {  	[hbm4b:s3+s9] =	stream.indirect.scatter [tilespmem:s11], [sflag:$0x1], $0x1, s0, s9, $0xb8;
	[tilespmem:$0x3C80] =	vst v63  }
0x57: {  	s31 =	simm.s32 $0x2880  }
0x58: {  	[hbm4b:s3+s9] =	stream.indirect.scatter [tilespmem:s11], [sflag:$0x1], $0x1, s31, s9, $0xb8;
	[tilespmem:$0x3C80] =	vst v63  }
0x59: {  	s1 =	simm.s32 $0x2900  }
0x5a: {  	[hbm4b:s3+s9] =	stream.indirect.scatter [tilespmem:s11], [sflag:$0x1], $0x1, s1, s9, $0xb8;
	[tilespmem:$0x3C80] =	vst v63  }
0x5b: {  	s31 =	simm.s32 $0x2980  }
0x5c: {  	[hbm4b:s3+s9] =	stream.indirect.scatter [tilespmem:s11], [sflag:$0x1], $0x1, s31, s9, $0xb8;
	[tilespmem:$0x3C80] =	vst v63  }
0x5d: {  	s1 =	simm.s32 $0x2A00  }
0x5e: {  	[hbm4b:s3+s9] =	stream.indirect.scatter [tilespmem:s11], [sflag:$0x1], $0x1, s1, s9, $0xb8;
	[tilespmem:$0x3C80] =	vst v63  }
0x5f: {  	s31 =	simm.s32 $0x2A80  }
0x60: {  	[hbm4b:s3+s9] =	stream.indirect.scatter [tilespmem:s11], [sflag:$0x1], $0x1, s31, s9, $0xb8;
	[tilespmem:$0x3C80] =	vst v63  }
0x61: {  	s1 =	simm.s32 $0x2B00  }
0x62: {  	[hbm4b:s3+s9] =	stream.indirect.scatter [tilespmem:s11], [sflag:$0x1], $0x1, s1, s9, $0xb8;
	[tilespmem:$0x3C80] =	vst v63  }
0x63: {  	s31 =	simm.s32 $0x2B80  }
0x64: {  	[hbm4b:s3+s9] =	stream.indirect.scatter [tilespmem:s11], [sflag:$0x1], $0x1, s31, s9, $0xb8;
	[tilespmem:$0x3C80] =	vst v63  }
0x65: {  	s1 =	simm.s32 $0x2C00  }
0x66: {  	[hbm4b:s3+s9] =	stream.indirect.scatter [tilespmem:s11], [sflag:$0x1], $0x1, s1, s9, $0xb8;
	[tilespmem:$0x3C80] =	vst v63  }
0x67: {  	s31 =	simm.s32 $0x2C80  }
0x68: {  	[hbm4b:s3+s9] =	stream.indirect.scatter [tilespmem:s11], [sflag:$0x1], $0x1, s31, s9, $0xb8;
	[tilespmem:$0x3C80] =	vst v63  }
0x69: {  	s1 =	simm.s32 $0x2D00  }
0x6a: {  	[hbm4b:s3+s9] =	stream.indirect.scatter [tilespmem:s11], [sflag:$0x1], $0x1, s1, s9, $0xb8;
	[tilespmem:$0x3C80] =	vst v63  }
0x6b: {  	s31 =	simm.s32 $0x2D80  }
0x6c: {  	[hbm4b:s3+s9] =	stream.indirect.scatter [tilespmem:s11], [sflag:$0x1], $0x1, s31, s9, $0xb8;
	[tilespmem:$0x3C80] =	vst v63  }
0x6d: {  	s1 =	simm.s32 $0x2E00  }
0x6e: {  	[hbm4b:s3+s9] =	stream.indirect.scatter [tilespmem:s11], [sflag:$0x1], $0x1, s1, s9, $0xb8;
	[tilespmem:$0x3C80] =	vst v63  }
0x6f: {  	s31 =	simm.s32 $0x2E80  }
0x70: {  	[hbm4b:s3+s9] =	stream.indirect.scatter [tilespmem:s11], [sflag:$0x1], $0x1, s31, s9, $0xb8;
	[tilespmem:$0x3C80] =	vst v63  }
0x71: {  	s1 =	simm.s32 $0x2F00  }
0x72: {  	[hbm4b:s3+s9] =	stream.indirect.scatter [tilespmem:s11], [sflag:$0x1], $0x1, s1, s9, $0xb8;
	[tilespmem:$0x3C80] =	vst v63  }
0x73: {  	s31 =	simm.s32 $0x2F80  }
0x74: {  	[hbm4b:s3+s9] =	stream.indirect.scatter [tilespmem:s11], [sflag:$0x1], $0x1, s31, s9, $0xb8;
	[tilespmem:$0x3C80] =	vst v63  }
0x75: {  	s1 =	simm.s32 $0x3000  }
0x76: {  	[hbm4b:s3+s9] =	stream.indirect.scatter [tilespmem:s11], [sflag:$0x1], $0x1, s1, s9, $0xb8;
	[tilespmem:$0x3C80] =	vst v63  }
0x77: {  	s31 =	simm.s32 $0x3080  }
0x78: {  	[hbm4b:s3+s9] =	stream.indirect.scatter [tilespmem:s11], [sflag:$0x1], $0x1, s31, s9, $0xb8;
	[tilespmem:$0x3C80] =	vst v63  }
0x79: {  	s1 =	simm.s32 $0x3100  }
0x7a: {  	[hbm4b:s3+s9] =	stream.indirect.scatter [tilespmem:s11], [sflag:$0x1], $0x1, s1, s9, $0xb8;
	[tilespmem:$0x3C80] =	vst v63  }
0x7b: {  	s31 =	simm.s32 $0x3180  }
0x7c: {  	[hbm4b:s3+s9] =	stream.indirect.scatter [tilespmem:s11], [sflag:$0x1], $0x1, s31, s9, $0xb8;
	[tilespmem:$0x3C80] =	vst v63  }
0x7d: {  	s1 =	simm.s32 $0x3200  }
0x7e: {  	[hbm4b:s3+s9] =	stream.indirect.scatter [tilespmem:s11], [sflag:$0x1], $0x1, s1, s9, $0xb8;
	[tilespmem:$0x3C80] =	vst v63  }
0x7f: {  	s31 =	simm.s32 $0x3280  }
0x80: {  	[hbm4b:s3+s9] =	stream.indirect.scatter [tilespmem:s11], [sflag:$0x1], $0x1, s31, s9, $0xb8;
	[tilespmem:$0x3C80] =	vst v63  }
0x81: {  	_ = 	snop  }
0x82: {  	[hbm4b:s3+s9] =	stream.indirect.scatter [tilespmem:s11], [sflag:$0x1], $0x1, s8, s9, $0xb8;
	[tilespmem:$0x3C80] =	vst v63  }
0x83: {  	_ = 	snop  }
0x84: {  	[hbm4b:s3+s9] =	stream.indirect.scatter [tilespmem:s11], [sflag:$0x1], $0x1, s10, s9, $0xb8;
	[tilespmem:$0x3C80] =	vst v63  }
0x85: {  	_ = 	snop  }
0x86: {  	[hbm4b:s3+s9] =	stream.indirect.scatter [tilespmem:s11], [sflag:$0x1], $0x1, s12, s9, $0xb8;
	[tilespmem:$0x3C80] =	vst v63  }
0x87: {  	_ = 	snop  }
0x88: {  	[hbm4b:s3+s9] =	stream.indirect.scatter [tilespmem:s11], [sflag:$0x1], $0x1, s13, s9, $0xb8;
	[tilespmem:$0x3C80] =	vst v63  }
0x89: {  	_ = 	snop  }
0x8a: {  	[hbm4b:s3+s9] =	stream.indirect.scatter [tilespmem:s11], [sflag:$0x1], $0x1, s14, s9, $0xb8;
	[tilespmem:$0x3C80] =	vst v63  }
0x8b: {  	_ = 	snop  }
0x8c: {  	[hbm4b:s3+s9] =	stream.indirect.scatter [tilespmem:s11], [sflag:$0x1], $0x1, s15, s9, $0xb8;
	[tilespmem:$0x3C80] =	vst v63  }
0x8d: {  	_ = 	snop  }
0x8e: {  	[hbm4b:s3+s9] =	stream.indirect.scatter [tilespmem:s11], [sflag:$0x1], $0x1, s16, s9, $0xb8;
	[tilespmem:$0x3C80] =	vst v63  }
0x8f: {  	_ = 	snop  }
0x90: {  	[hbm4b:s3+s9] =	stream.indirect.scatter [tilespmem:s11], [sflag:$0x1], $0x1, s17, s9, $0xb8;
	[tilespmem:$0x3C80] =	vst v63  }
0x91: {  	_ = 	snop  }
0x92: {  	[hbm4b:s3+s9] =	stream.indirect.scatter [tilespmem:s11], [sflag:$0x1], $0x1, s18, s9, $0xb8;
	[tilespmem:$0x3C80] =	vst v63  }
0x93: {  	_ = 	snop  }
0x94: {  	[hbm4b:s3+s9] =	stream.indirect.scatter [tilespmem:s11], [sflag:$0x1], $0x1, s19, s9, $0xb8;
	[tilespmem:$0x3C80] =	vst v63  }
0x95: {  	_ = 	snop  }
0x96: {  	[hbm4b:s3+s9] =	stream.indirect.scatter [tilespmem:s11], [sflag:$0x1], $0x1, s20, s9, $0xb8;
	[tilespmem:$0x3C80] =	vst v63  }
0x97: {  	_ = 	snop  }
0x98: {  	[hbm4b:s3+s9] =	stream.indirect.scatter [tilespmem:s11], [sflag:$0x1], $0x1, s21, s9, $0xb8;
	[tilespmem:$0x3C80] =	vst v63  }
0x99: {  	_ = 	snop  }
0x9a: {  	[hbm4b:s3+s9] =	stream.indirect.scatter [tilespmem:s11], [sflag:$0x1], $0x1, s22, s9, $0xb8;
	[tilespmem:$0x3C80] =	vst v63  }
0x9b: {  	_ = 	snop  }
0x9c: {  	[hbm4b:s3+s9] =	stream.indirect.scatter [tilespmem:s11], [sflag:$0x1], $0x1, s23, s9, $0xb8;
	[tilespmem:$0x3C80] =	vst v63  }
0x9d: {  	_ = 	snop  }
0x9e: {  	[hbm4b:s3+s9] =	stream.indirect.scatter [tilespmem:s11], [sflag:$0x1], $0x1, s24, s9, $0xb8;
	[tilespmem:$0x3C80] =	vst v63  }
0x9f: {  	_ = 	snop  }
0xa0: {  	[hbm4b:s3+s9] =	stream.indirect.scatter [tilespmem:s11], [sflag:$0x1], $0x1, s25, s9, $0xb8;
	[tilespmem:$0x3C80] =	vst v63  }
0xa1: {  	_ = 	snop  }
0xa2: {  	[hbm4b:s3+s9] =	stream.indirect.scatter [tilespmem:s11], [sflag:$0x1], $0x1, s26, s9, $0xb8;
	[tilespmem:$0x3C80] =	vst v63  }
0xa3: {  	_ = 	snop  }
0xa4: {  	[hbm4b:s3+s9] =	stream.indirect.scatter [tilespmem:s11], [sflag:$0x1], $0x1, s28, s9, $0xb8;
	[tilespmem:$0x3C80] =	vst v63  }
0xa5: {  	_ =	swait.ge [sflag:s29], $0x80  }
0xa6: {  	s0 =	simm.s32 $0x27;
	[sflag:s29] =	ssyncset.done $0x0  }
.LBB2_4:
0xa7: {  	p0 =	sne.s32 s0, $0x1;
	s0 =	sadd.s32 $0xFFFFFFFF, s0;
	[sflag:s29] =	ssyncadd.s32 $0xFFFFFF80  }
.Ltmp1:
0xa8: {  	(pc) =	sbr.rel @p0 .LBB2_4-.Ltmp1, $3  }
0xa9: {  	_ =	sdelay $0x1  }
0xaa: {  	_ =	swait.ge [sflag:s29], $0x80  }
0xab: {  	[sflag:s29] =	ssyncset.done $0x0  }
0xac: {  	s30 =	sadd.s32 $0x1, s30  }
0xad: {  	p0 =	sne.s32 s30, s6  }
.Ltmp2:
0xae: {  	_ = 	snop;
	(pc) =	sbr.rel @p0 .LBB2_1-.Ltmp2, $2  }
0xaf: {  	_ =	sdelay $0x2  }
0xb0: {  	[sflag:s29] =	ssyncadd.s32 $0xFFFFFF80  }
0xb1: {  	_ =	sfence.sel $0x180000  }
0xb2: {  	[bflag:$0x0] =	sbarrier.arrive $0xFFFF  }
0xb3: {  	_ =	strace $0x9000004A  }
0xb4: {  	s0 =	stileid.u32;
	[bflag:$0x2] =	sbarrier.arrive $0xFFFF  }
0xb5: {  	p0 =	sne.s32 s0, $0x0;
	s0 =	rddreg [dreg:$0x2]  }
0xb6: {  	s0 =	sadd.s32 @!p0 $0x100000, s0  }
0xb7: {  	[sflag:s0] =	ssyncadd.tile.s32 @!p0 $0x1;
	_ =	shalt  }
.Lfunc_end2:
_tile_overlayer_lowered:
.L_overlay_start_2:
0xb8: {  	(tag) =	ssettag $0x2  }
0xb9: {  	s0 =	rddreg [dreg:$0x0];
	s2 =	stileid.u32  }
0xba: {  	s1 =	rddreg [dreg:$0x1];
	p0 =	sne.s32 s2, $0x0  }
0xbb: {  	s3 =	rddreg [dreg:$0x2];
	[bflag:$0x3] =	sbarrier.arrive $0xFFFF;
	s2 =	simm.s32 @!p0 $0x1C02  }
0xbc: {  	[timem:s3], [sflag:s2] =	dma.local @!p0 [hbm:s0], s1  }
0xbd: {  	s0 =	simm.s32 @!p0 $0x2  }
0xbe: {  	_ =	swait.ge @!p0 [sflag:s0], s1  }
0xbf: {  	s1 =	ssub.s32 @!p0 $0x0, s1;
	[sflag:s0] =	ssyncset.done @!p0 $0x0  }
0xc0: {  	[sflag:s0] =	ssyncadd.s32 @!p0 s1  }
0xc1: {  	[bflag:$0x3] =	sbarrier.arrive $0xFFFF  }
0xc2: {  	_ =	shalt  }

</sc_bundles>
